<compile_context>
chip_gen: v7x
topology: tpu7x:2x2x1
jax: 0.10.2.dev20260603
libtpu: 0.0.44.dev20260713+nightly
codegen_flags: <defaults>
</compile_context>

<pallas_src>
import functools

import jax
import jax.numpy as jnp
import numpy as np
from jax import lax
from jax.experimental import pallas as pl
from jax.experimental.pallas import tpu as pltpu
from jax.experimental.pallas import tpu_sc as plsc

_N = 4096
_D = 32
_K = 8192
_NB = 4096
_KB = 1024
_C = 128
_NCH = _KB // _C
_COMMIT = 0.25
_BIG = 3.0e38


def _argmin_body(flat_ref, emb_ref, x2_ref, e2_ref, qidx_ref, loss_ref):
    flat2 = 2.0 * flat_ref[...]

    def _tile_dot(h):
        return lax.dot_general(
            flat2, emb_ref[h * 256:(h + 1) * 256, :],
            dimension_numbers=(((1,), (1,)), ((), ())),
            preferred_element_type=jnp.float32,
        )

    x2 = x2_ref[...]
    ntiles = _K // 256
    val = None
    s2p = {0: _tile_dot(0)}
    for c in range(_K // _C):
        if c % 2 == 0 and c // 2 + 1 < ntiles:
            s2p[c // 2 + 1] = _tile_dot(c // 2 + 1)
        e2c = e2_ref[c // _NCH, :, (c % _NCH) * _C:(c % _NCH) * _C + _C]
        psl = slice((c % 2) * _C, (c % 2) * _C + _C)
        d = (x2 + e2c) - s2p[c // 2][:, psl]
        if val is None:
            val, idc = d, jnp.zeros((_NB, _C), jnp.float32)
        else:
            m = d < val
            val = jnp.where(m, d, val)
            idc = jnp.where(m, jnp.float32(1.0) * c, idc)

    rmin = jnp.min(val, axis=1, keepdims=True)
    lane = lax.broadcasted_iota(jnp.int32, (_NB, _C), 1).astype(jnp.float32)
    gidx = idc * _C + lane
    cand = jnp.where(val == rmin, gidx, _BIG)
    gmin = jnp.min(cand, axis=1, keepdims=True)
    qidx_ref[...] = gmin.astype(jnp.int32)
    loss_ref[0, 0] = _COMMIT * (jnp.sum(rmin) * (1.0 / (_N * _D)))


def _argmin_call(flat, embed, x2, e2r):
    return pl.pallas_call(
        _argmin_body,
        in_specs=[
            pl.BlockSpec(memory_space=pltpu.VMEM),
            pl.BlockSpec(memory_space=pltpu.VMEM),
            pl.BlockSpec(memory_space=pltpu.VMEM),
            pl.BlockSpec(memory_space=pltpu.VMEM),
        ],
        out_specs=[
            pl.BlockSpec(memory_space=pltpu.VMEM),
            pl.BlockSpec(memory_space=pltpu.SMEM),
        ],
        out_shape=[
            jax.ShapeDtypeStruct((_N, 1), jnp.int32),
            jax.ShapeDtypeStruct((1, 1), jnp.float32),
        ],
    )(flat, embed, x2, e2r)


_NS = 16
_BPW = _N // _NS
_CPW = _K // _NS
_TPAD = 4104


def _sc_body(idx_hbm, emb_hbm, zeros_hbm, ones_hbm, table_hbm,
             zq_hbm, perp_hbm,
             idx_v, rows_v, ones_v, cnt_v, table_v, ent_v, acc_v,
             counts_sh, ent_sh, sem, sem_w, sem_a, sem_b):
    s = lax.axis_index("s")
    base = s * _BPW

    @pl.when(s == 0)
    def _():
        pltpu.sync_copy(zeros_hbm, counts_sh)

    pltpu.sync_copy(idx_hbm.at[pl.ds(base, _BPW)], idx_v)
    gat = pltpu.async_copy(emb_hbm.at[idx_v], rows_v, sem)
    h_ones = pltpu.async_copy(ones_hbm, ones_v, sem_a)
    h_tab = pltpu.async_copy(table_hbm, table_v, sem_b)
    gat.wait()
    zqw = pltpu.async_copy(rows_v, zq_hbm.at[pl.ds(base, _BPW)], sem_w)
    h_ones.wait()
    h_tab.wait()
    plsc.subcore_barrier()
    pltpu.sync_copy(ones_v, counts_sh.at[idx_v], add=True)
    plsc.subcore_barrier()
    pltpu.sync_copy(counts_sh.at[pl.ds(s * _CPW, _CPW)], cnt_v)
    acc = jnp.zeros((16,), jnp.float32)
    for j in range(_CPW // 16):
        ci = cnt_v[pl.ds(j * 16, 16)].astype(jnp.int32)
        acc = acc + plsc.load_gather(table_v, [ci])
    ent_v[...] = acc
    pltpu.sync_copy(ent_v, ent_sh.at[s])
    plsc.subcore_barrier()

    @pl.when(s == 0)
    def _():
        pltpu.sync_copy(ent_sh, acc_v)
        tot = jnp.zeros((16,), jnp.float32)
        for r in range(_NS):
            tot = tot + acc_v[r]
        ent = jnp.sum(tot)
        ent_v[...] = jnp.exp(jnp.broadcast_to(ent, (16,)))
        pltpu.sync_copy(ent_v, perp_hbm)

    zqw.wait()


@functools.cache
def _sc_gather_hist():
    return pl.kernel(
        _sc_body,
        mesh=plsc.VectorSubcoreMesh(
            core_axis_name="c", subcore_axis_name="s", num_cores=1),
        compiler_params=pltpu.CompilerParams(
            use_tc_tiling_on_sc=False, needs_layout_passes=False),
        out_type=[
            jax.ShapeDtypeStruct((_N, _D), jnp.float32),
            jax.ShapeDtypeStruct((16,), jnp.float32),
        ],
        scratch_types=[
            pltpu.VMEM((_BPW,), jnp.int32),
            pltpu.VMEM((_BPW, _D), jnp.float32),
            pltpu.VMEM((_BPW,), jnp.float32),
            pltpu.VMEM((_CPW,), jnp.float32),
            pltpu.VMEM((_TPAD,), jnp.float32),
            pltpu.VMEM((16,), jnp.float32),
            pltpu.VMEM((_NS, 16), jnp.float32),
            pltpu.VMEM_SHARED((_K,), jnp.float32),
            pltpu.VMEM_SHARED((_NS, 16), jnp.float32),
            pltpu.SemaphoreType.DMA,
            pltpu.SemaphoreType.DMA,
            pltpu.SemaphoreType.DMA,
            pltpu.SemaphoreType.DMA,
        ],
    )


_KLDIV_VAL = np.log(float(_K)) * (_N / 4)


def kernel(inputs, embed):
    x = jnp.swapaxes(inputs, 1, -1)
    input_shape = x.shape
    flat = x.reshape(_N, _D)
    x2 = jnp.sum(flat * flat, axis=1, keepdims=True)
    e2 = jnp.sum(embed * embed, axis=1)
    e2r = e2.reshape(_K // _KB, 1, _KB)

    qidx, loss = _argmin_call(flat, embed, x2, e2r)

    zeros = jnp.zeros((_K,), jnp.float32)
    ones = jnp.ones((_BPW,), jnp.float32)
    cgrid = jnp.arange(_TPAD, dtype=jnp.float32) * (1.0 / _N)
    table = -(cgrid * jnp.log(cgrid + 1e-10)).at[0].set(0.0)
    zq, perp_v = _sc_gather_hist()(qidx.reshape(_N), embed, zeros, ones, table)
    perp = perp_v[0].reshape(1, 1)

    zq_r = zq.astype(jnp.bfloat16).astype(jnp.float32)
    z_q_out = jnp.swapaxes(zq_r.reshape(input_shape), 1, -1)
    kldiv_r = jnp.full((inputs.shape[0], 1), _KLDIV_VAL, jnp.float32)
    return (z_q_out, loss[0, 0], kldiv_r, perp[0, 0])

# --- scband reference (transcript-rebuilt; emitter-appended) ---
"""Pipeline reference for scband-emakmeans-vector-quantizer-52123723105004 (READ-ONLY COPY).

The authoritative reference and input builder live on the scoring server;
editing this copy changes nothing except your own understanding.
"""

import jax, jax.numpy as jnp
import numpy as np

NUM_EMBED = 8192
EMBED_DIM = 32
COMMITMENT_COST = 0.25

def setup_inputs(seed: int = 0):
    key = jax.random.key(seed)
    k1, k2 = jax.random.split(key)
    inputs = jax.random.normal(k1, (4, 32, 32, 32), dtype=jnp.float32)
    embed = jax.random.normal(k2, (NUM_EMBED, EMBED_DIM), dtype=jnp.float32)
    return {"inputs": inputs, "embed": embed}

def reference(inputs, embed):
    # inputs: [B, C=embed_dim, H, W] channels-first, matching torch module
    x = jnp.swapaxes(inputs, 1, -1)  # [B, W, H, C]
    input_shape = x.shape
    flat = x.reshape(-1, EMBED_DIM)  # [N, C]
    d2 = (jnp.sum(flat ** 2, axis=1, keepdims=True)
          + jnp.sum(embed ** 2, axis=1)
          - 2.0 * jnp.matmul(flat, embed.T))  # [N, K]
    q_idx = jnp.argmin(d2, axis=1)  # [N]
    n = flat.shape[0]
    # scatter one-hot assignment matrix r (scatter-overwrite)
    r = jnp.zeros((n, NUM_EMBED), dtype=flat.dtype).at[jnp.arange(n), q_idx].set(1.0)
    z_q = jnp.matmul(r, embed).reshape(input_shape)
    commitment_loss = jnp.mean((jax.lax.stop_gradient(z_q) - x) ** 2)
    loss = COMMITMENT_COST * commitment_loss
    # straight-through estimator
    z_q_st = x + jax.lax.stop_gradient(z_q - x)
    probs = jnp.mean(r, axis=0)
    perplexity = jnp.exp(-jnp.sum(probs * jnp.log(probs + 1e-10)))
    num_spatial_positions = n / inputs.shape[0]
    kldiv_r = np.log(NUM_EMBED) * num_spatial_positions * jnp.ones((inputs.shape[0], 1), dtype=flat.dtype)
    z_q_out = jnp.swapaxes(z_q_st, 1, -1)
    return (z_q_out, loss, kldiv_r, perplexity)

if __name__ == "__main__":
    import jax
    _d = setup_inputs()
    print(jax.jit(kernel)(*tuple(_d.values())))

</pallas_src>

<mosaic_0001>
#map = affine_map<(d0, d1) -> (0)>
#map1 = affine_map<(d0, d1) -> (0, 0)>
module attributes {stable_mosaic.version = 14 : i64} {
  func.func @_sc_body(%arg0: i32, %arg1: i32, %arg2: memref<4096xi32, #tpu.memory_space<hbm>>, %arg3: memref<8192x32xf32, #tpu.memory_space<hbm>>, %arg4: memref<8192xf32, #tpu.memory_space<hbm>>, %arg5: memref<256xf32, #tpu.memory_space<hbm>>, %arg6: memref<4104xf32, #tpu.memory_space<hbm>>, %arg7: memref<4096x32xf32, #tpu.memory_space<hbm>>, %arg8: memref<16xf32, #tpu.memory_space<hbm>>, %arg9: memref<256xi32, #tpu.memory_space<vmem>>, %arg10: memref<256x32xf32, #tpu.memory_space<vmem>>, %arg11: memref<256xf32, #tpu.memory_space<vmem>>, %arg12: memref<512xf32, #tpu.memory_space<vmem>>, %arg13: memref<4104xf32, #tpu.memory_space<vmem>>, %arg14: memref<16xf32, #tpu.memory_space<vmem>>, %arg15: memref<16x16xf32, #tpu.memory_space<vmem>>, %arg16: memref<8192xf32, #tpu.memory_space<vmem_shared>>, %arg17: memref<16x16xf32, #tpu.memory_space<vmem_shared>>, %arg18: memref<!tpu.dma_semaphore, #tpu.memory_space<semaphore_mem>>, %arg19: memref<!tpu.dma_semaphore, #tpu.memory_space<semaphore_mem>>, %arg20: memref<!tpu.dma_semaphore, #tpu.memory_space<semaphore_mem>>, %arg21: memref<!tpu.dma_semaphore, #tpu.memory_space<semaphore_mem>>) attributes {dimension_semantics = [#tpu.dimension_semantics<core_parallel>, #tpu.dimension_semantics<subcore_parallel>], iteration_bounds = array<i64: 1, 16>, scalar_prefetch = 0 : i64, scratch_operands = 13 : i64, tpu.core_type = #tpu.core_type<sc_vector_subcore>, window_params = [{transform_indices = #map}, {transform_indices = #map1}, {transform_indices = #map}, {transform_indices = #map}, {transform_indices = #map}, {transform_indices = #map1}, {transform_indices = #map}]} {
    %mul3A = arith.constant 256 : i32
    %mul3A_0 = arith.muli %arg1, %mul3A : i32
    %eq3A = arith.constant 0 : i32
    %eq3A_1 = arith.cmpi eq, %arg1, %eq3A : i32
    %convert_element_type3A = arith.extui %eq3A_1 : i1 to i32
    %cond3A = arith.constant 0 : i32
    %cond3A_2 = arith.cmpi ne, %convert_element_type3A, %cond3A : i32
    scf.if %cond3A_2 {
      "tpu.region"() ({
        %run_scoped3A = tpu.sem_alloc : memref<!tpu.dma_semaphore, #tpu.memory_space<semaphore_mem>>
        tpu.enqueue_dma source(%arg4 : memref<8192xf32, #tpu.memory_space<hbm>>) target(%arg16 : memref<8192xf32, #tpu.memory_space<vmem_shared>>) target_semaphore(%run_scoped3A : memref<!tpu.dma_semaphore, #tpu.memory_space<semaphore_mem>>)
        tpu.wait_dma2 semaphore(%run_scoped3A : memref<!tpu.dma_semaphore, #tpu.memory_space<semaphore_mem>>) src(%arg4 : memref<8192xf32, #tpu.memory_space<hbm>>) dst(%arg16 : memref<8192xf32, #tpu.memory_space<vmem_shared>>)
        tpu.yield
      }) : () -> ()
    } else {
    }
    "tpu.region"() ({
      %run_scoped3A = tpu.sem_alloc : memref<!tpu.dma_semaphore, #tpu.memory_space<semaphore_mem>>
      %dma_start3A_183 = tpu.memref_slice %arg2[%mul3A_0] : memref<4096xi32, #tpu.memory_space<hbm>> -> memref<256xi32, #tpu.memory_space<hbm>>
      %dma_start3A_184 = tpu.memref_slice %arg2[%mul3A_0] : memref<4096xi32, #tpu.memory_space<hbm>> -> memref<256xi32, #tpu.memory_space<hbm>>
      tpu.enqueue_dma source(%dma_start3A_184 : memref<256xi32, #tpu.memory_space<hbm>>) target(%arg9 : memref<256xi32, #tpu.memory_space<vmem>>) target_semaphore(%run_scoped3A : memref<!tpu.dma_semaphore, #tpu.memory_space<semaphore_mem>>)
      %dma_wait3A_185 = tpu.memref_slice %arg2[%mul3A_0] : memref<4096xi32, #tpu.memory_space<hbm>> -> memref<256xi32, #tpu.memory_space<hbm>>
      %dma_wait3A_186 = tpu.memref_slice %arg2[%mul3A_0] : memref<4096xi32, #tpu.memory_space<hbm>> -> memref<256xi32, #tpu.memory_space<hbm>>
      tpu.wait_dma2 semaphore(%run_scoped3A : memref<!tpu.dma_semaphore, #tpu.memory_space<semaphore_mem>>) src(%dma_wait3A_186 : memref<256xi32, #tpu.memory_space<hbm>>) dst(%arg9 : memref<256xi32, #tpu.memory_space<vmem>>)
      tpu.yield
    }) : () -> ()
    %dma_start3A = arith.constant 0 : i32
    %dma_start3A_3 = arith.constant 0 : i32
    %dma_start3A_4 = tpu.memref_slice %arg3[%dma_start3A, %dma_start3A_3] : memref<8192x32xf32, #tpu.memory_space<hbm>> -> memref<8192x32xf32, #tpu.memory_space<hbm>>
    tpu.enqueue_indirect_dma source(%dma_start3A_4 : memref<8192x32xf32, #tpu.memory_space<hbm>>) target(%arg10 : memref<256x32xf32, #tpu.memory_space<vmem>>) offsets(%arg9 : memref<256xi32, #tpu.memory_space<vmem>>) semaphore(%arg18 : memref<!tpu.dma_semaphore, #tpu.memory_space<semaphore_mem>>)
    tpu.enqueue_dma source(%arg5 : memref<256xf32, #tpu.memory_space<hbm>>) target(%arg11 : memref<256xf32, #tpu.memory_space<vmem>>) target_semaphore(%arg20 : memref<!tpu.dma_semaphore, #tpu.memory_space<semaphore_mem>>)
    tpu.enqueue_dma source(%arg6 : memref<4104xf32, #tpu.memory_space<hbm>>) target(%arg13 : memref<4104xf32, #tpu.memory_space<vmem>>) target_semaphore(%arg21 : memref<!tpu.dma_semaphore, #tpu.memory_space<semaphore_mem>>)
    %dma_wait3A = arith.constant 0 : i32
    %dma_wait3A_5 = arith.constant 0 : i32
    %dma_wait3A_6 = tpu.memref_slice %arg3[%dma_wait3A, %dma_wait3A_5] : memref<8192x32xf32, #tpu.memory_space<hbm>> -> memref<8192x32xf32, #tpu.memory_space<hbm>>
    tpu.wait_indirect_dma semaphore(%arg18 : memref<!tpu.dma_semaphore, #tpu.memory_space<semaphore_mem>>) src(%dma_wait3A_6 : memref<8192x32xf32, #tpu.memory_space<hbm>>) dst(%arg10 : memref<256x32xf32, #tpu.memory_space<vmem>>)
    %dma_start3A_7 = arith.constant 0 : i32
    %dma_start3A_8 = tpu.memref_slice %arg7[%mul3A_0, %dma_start3A_7] : memref<4096x32xf32, #tpu.memory_space<hbm>> -> memref<256x32xf32, #tpu.memory_space<hbm>>
    %dma_start3A_9 = arith.constant 0 : i32
    %dma_start3A_10 = tpu.memref_slice %arg7[%mul3A_0, %dma_start3A_9] : memref<4096x32xf32, #tpu.memory_space<hbm>> -> memref<256x32xf32, #tpu.memory_space<hbm>>
    tpu.enqueue_dma source(%arg10 : memref<256x32xf32, #tpu.memory_space<vmem>>) target(%dma_start3A_10 : memref<256x32xf32, #tpu.memory_space<hbm>>) target_semaphore(%arg19 : memref<!tpu.dma_semaphore, #tpu.memory_space<semaphore_mem>>)
    tpu.wait_dma2 semaphore(%arg20 : memref<!tpu.dma_semaphore, #tpu.memory_space<semaphore_mem>>) src(%arg5 : memref<256xf32, #tpu.memory_space<hbm>>) dst(%arg11 : memref<256xf32, #tpu.memory_space<vmem>>)
    tpu.wait_dma2 semaphore(%arg21 : memref<!tpu.dma_semaphore, #tpu.memory_space<semaphore_mem>>) src(%arg6 : memref<4104xf32, #tpu.memory_space<hbm>>) dst(%arg13 : memref<4104xf32, #tpu.memory_space<vmem>>)
    %barrier3A = arith.constant 0 : index
    tpu.barrier barrier_id(%barrier3A)
    "tpu.region"() ({
      %run_scoped3A = tpu.sem_alloc : memref<!tpu.dma_semaphore, #tpu.memory_space<semaphore_mem>>
      %dma_start3A_183 = arith.constant 0 : i32
      %dma_start3A_184 = tpu.memref_slice %arg16[%dma_start3A_183] : memref<8192xf32, #tpu.memory_space<vmem_shared>> -> memref<8192xf32, #tpu.memory_space<vmem_shared>>
      tpu.enqueue_indirect_dma source(%arg11 : memref<256xf32, #tpu.memory_space<vmem>>) target(%dma_start3A_184 : memref<8192xf32, #tpu.memory_space<vmem_shared>>) offsets(%arg9 : memref<256xi32, #tpu.memory_space<vmem>>) semaphore(%run_scoped3A : memref<!tpu.dma_semaphore, #tpu.memory_space<semaphore_mem>>) {add = true}
      %dma_wait3A_185 = arith.constant 0 : i32
      %dma_wait3A_186 = tpu.memref_slice %arg16[%dma_wait3A_185] : memref<8192xf32, #tpu.memory_space<vmem_shared>> -> memref<8192xf32, #tpu.memory_space<vmem_shared>>
      tpu.wait_indirect_dma semaphore(%run_scoped3A : memref<!tpu.dma_semaphore, #tpu.memory_space<semaphore_mem>>) src(%arg11 : memref<256xf32, #tpu.memory_space<vmem>>) dst(%dma_wait3A_186 : memref<8192xf32, #tpu.memory_space<vmem_shared>>)
      tpu.yield
    }) : () -> ()
    %barrier3A_11 = arith.constant 0 : index
    tpu.barrier barrier_id(%barrier3A_11)
    %mul3A_12 = arith.constant 512 : i32
    %mul3A_13 = arith.muli %arg1, %mul3A_12 : i32
    "tpu.region"() ({
      %run_scoped3A = tpu.sem_alloc : memref<!tpu.dma_semaphore, #tpu.memory_space<semaphore_mem>>
      %dma_start3A_183 = tpu.memref_slice %arg16[%mul3A_13] : memref<8192xf32, #tpu.memory_space<vmem_shared>> -> memref<512xf32, #tpu.memory_space<vmem_shared>>
      %dma_start3A_184 = tpu.memref_slice %arg16[%mul3A_13] : memref<8192xf32, #tpu.memory_space<vmem_shared>> -> memref<512xf32, #tpu.memory_space<vmem_shared>>
      tpu.enqueue_dma source(%dma_start3A_184 : memref<512xf32, #tpu.memory_space<vmem_shared>>) target(%arg12 : memref<512xf32, #tpu.memory_space<vmem>>) target_semaphore(%run_scoped3A : memref<!tpu.dma_semaphore, #tpu.memory_space<semaphore_mem>>)
      %dma_wait3A_185 = tpu.memref_slice %arg16[%mul3A_13] : memref<8192xf32, #tpu.memory_space<vmem_shared>> -> memref<512xf32, #tpu.memory_space<vmem_shared>>
      %dma_wait3A_186 = tpu.memref_slice %arg16[%mul3A_13] : memref<8192xf32, #tpu.memory_space<vmem_shared>> -> memref<512xf32, #tpu.memory_space<vmem_shared>>
      tpu.wait_dma2 semaphore(%run_scoped3A : memref<!tpu.dma_semaphore, #tpu.memory_space<semaphore_mem>>) src(%dma_wait3A_186 : memref<512xf32, #tpu.memory_space<vmem_shared>>) dst(%arg12 : memref<512xf32, #tpu.memory_space<vmem>>)
      tpu.yield
    }) : () -> ()
    %broadcast_in_dim3A = arith.constant 0.000000e+00 : f32
    %broadcast_in_dim3A_14 = vector.broadcast %broadcast_in_dim3A : f32 to vector<16xf32>
    %get3A = arith.constant 0 : index
    %get3A_15 = tpu.vector_load %arg12[%get3A] {strides = array<i32>} : memref<512xf32, #tpu.memory_space<vmem>>, vector<16xf32>,
    %convert_element_type3A_16 = arith.fptosi %get3A_15 : vector<16xf32> to vector<16xi32>
    %gather3A = tpu.vector_load_idx %arg13[%convert_element_type3A_16] : memref<4104xf32, #tpu.memory_space<vmem>>[vector<16xi32>], vector<16xf32>,
    %add3A = arith.addf %broadcast_in_dim3A_14, %gather3A : vector<16xf32>
    %get3A_17 = arith.constant 16 : index
    %get3A_18 = tpu.vector_load %arg12[%get3A_17] {strides = array<i32>} : memref<512xf32, #tpu.memory_space<vmem>>, vector<16xf32>,
    %convert_element_type3A_19 = arith.fptosi %get3A_18 : vector<16xf32> to vector<16xi32>
    %gather3A_20 = tpu.vector_load_idx %arg13[%convert_element_type3A_19] : memref<4104xf32, #tpu.memory_space<vmem>>[vector<16xi32>], vector<16xf32>,
    %add3A_21 = arith.addf %add3A, %gather3A_20 : vector<16xf32>
    %get3A_22 = arith.constant 32 : index
    %get3A_23 = tpu.vector_load %arg12[%get3A_22] {strides = array<i32>} : memref<512xf32, #tpu.memory_space<vmem>>, vector<16xf32>,
    %convert_element_type3A_24 = arith.fptosi %get3A_23 : vector<16xf32> to vector<16xi32>
    %gather3A_25 = tpu.vector_load_idx %arg13[%convert_element_type3A_24] : memref<4104xf32, #tpu.memory_space<vmem>>[vector<16xi32>], vector<16xf32>,
    %add3A_26 = arith.addf %add3A_21, %gather3A_25 : vector<16xf32>
    %get3A_27 = arith.constant 48 : index
    %get3A_28 = tpu.vector_load %arg12[%get3A_27] {strides = array<i32>} : memref<512xf32, #tpu.memory_space<vmem>>, vector<16xf32>,
    %convert_element_type3A_29 = arith.fptosi %get3A_28 : vector<16xf32> to vector<16xi32>
    %gather3A_30 = tpu.vector_load_idx %arg13[%convert_element_type3A_29] : memref<4104xf32, #tpu.memory_space<vmem>>[vector<16xi32>], vector<16xf32>,
    %add3A_31 = arith.addf %add3A_26, %gather3A_30 : vector<16xf32>
    %get3A_32 = arith.constant 64 : index
    %get3A_33 = tpu.vector_load %arg12[%get3A_32] {strides = array<i32>} : memref<512xf32, #tpu.memory_space<vmem>>, vector<16xf32>,
    %convert_element_type3A_34 = arith.fptosi %get3A_33 : vector<16xf32> to vector<16xi32>
    %gather3A_35 = tpu.vector_load_idx %arg13[%convert_element_type3A_34] : memref<4104xf32, #tpu.memory_space<vmem>>[vector<16xi32>], vector<16xf32>,
    %add3A_36 = arith.addf %add3A_31, %gather3A_35 : vector<16xf32>
    %get3A_37 = arith.constant 80 : index
    %get3A_38 = tpu.vector_load %arg12[%get3A_37] {strides = array<i32>} : memref<512xf32, #tpu.memory_space<vmem>>, vector<16xf32>,
    %convert_element_type3A_39 = arith.fptosi %get3A_38 : vector<16xf32> to vector<16xi32>
    %gather3A_40 = tpu.vector_load_idx %arg13[%convert_element_type3A_39] : memref<4104xf32, #tpu.memory_space<vmem>>[vector<16xi32>], vector<16xf32>,
    %add3A_41 = arith.addf %add3A_36, %gather3A_40 : vector<16xf32>
    %get3A_42 = arith.constant 96 : index
    %get3A_43 = tpu.vector_load %arg12[%get3A_42] {strides = array<i32>} : memref<512xf32, #tpu.memory_space<vmem>>, vector<16xf32>,
    %convert_element_type3A_44 = arith.fptosi %get3A_43 : vector<16xf32> to vector<16xi32>
    %gather3A_45 = tpu.vector_load_idx %arg13[%convert_element_type3A_44] : memref<4104xf32, #tpu.memory_space<vmem>>[vector<16xi32>], vector<16xf32>,
    %add3A_46 = arith.addf %add3A_41, %gather3A_45 : vector<16xf32>
    %get3A_47 = arith.constant 112 : index
    %get3A_48 = tpu.vector_load %arg12[%get3A_47] {strides = array<i32>} : memref<512xf32, #tpu.memory_space<vmem>>, vector<16xf32>,
    %convert_element_type3A_49 = arith.fptosi %get3A_48 : vector<16xf32> to vector<16xi32>
    %gather3A_50 = tpu.vector_load_idx %arg13[%convert_element_type3A_49] : memref<4104xf32, #tpu.memory_space<vmem>>[vector<16xi32>], vector<16xf32>,
    %add3A_51 = arith.addf %add3A_46, %gather3A_50 : vector<16xf32>
    %get3A_52 = arith.constant 128 : index
    %get3A_53 = tpu.vector_load %arg12[%get3A_52] {strides = array<i32>} : memref<512xf32, #tpu.memory_space<vmem>>, vector<16xf32>,
    %convert_element_type3A_54 = arith.fptosi %get3A_53 : vector<16xf32> to vector<16xi32>
    %gather3A_55 = tpu.vector_load_idx %arg13[%convert_element_type3A_54] : memref<4104xf32, #tpu.memory_space<vmem>>[vector<16xi32>], vector<16xf32>,
    %add3A_56 = arith.addf %add3A_51, %gather3A_55 : vector<16xf32>
    %get3A_57 = arith.constant 144 : index
    %get3A_58 = tpu.vector_load %arg12[%get3A_57] {strides = array<i32>} : memref<512xf32, #tpu.memory_space<vmem>>, vector<16xf32>,
    %convert_element_type3A_59 = arith.fptosi %get3A_58 : vector<16xf32> to vector<16xi32>
    %gather3A_60 = tpu.vector_load_idx %arg13[%convert_element_type3A_59] : memref<4104xf32, #tpu.memory_space<vmem>>[vector<16xi32>], vector<16xf32>,
    %add3A_61 = arith.addf %add3A_56, %gather3A_60 : vector<16xf32>
    %get3A_62 = arith.constant 160 : index
    %get3A_63 = tpu.vector_load %arg12[%get3A_62] {strides = array<i32>} : memref<512xf32, #tpu.memory_space<vmem>>, vector<16xf32>,
    %convert_element_type3A_64 = arith.fptosi %get3A_63 : vector<16xf32> to vector<16xi32>
    %gather3A_65 = tpu.vector_load_idx %arg13[%convert_element_type3A_64] : memref<4104xf32, #tpu.memory_space<vmem>>[vector<16xi32>], vector<16xf32>,
    %add3A_66 = arith.addf %add3A_61, %gather3A_65 : vector<16xf32>
    %get3A_67 = arith.constant 176 : index
    %get3A_68 = tpu.vector_load %arg12[%get3A_67] {strides = array<i32>} : memref<512xf32, #tpu.memory_space<vmem>>, vector<16xf32>,
    %convert_element_type3A_69 = arith.fptosi %get3A_68 : vector<16xf32> to vector<16xi32>
    %gather3A_70 = tpu.vector_load_idx %arg13[%convert_element_type3A_69] : memref<4104xf32, #tpu.memory_space<vmem>>[vector<16xi32>], vector<16xf32>,
    %add3A_71 = arith.addf %add3A_66, %gather3A_70 : vector<16xf32>
    %get3A_72 = arith.constant 192 : index
    %get3A_73 = tpu.vector_load %arg12[%get3A_72] {strides = array<i32>} : memref<512xf32, #tpu.memory_space<vmem>>, vector<16xf32>,
    %convert_element_type3A_74 = arith.fptosi %get3A_73 : vector<16xf32> to vector<16xi32>
    %gather3A_75 = tpu.vector_load_idx %arg13[%convert_element_type3A_74] : memref<4104xf32, #tpu.memory_space<vmem>>[vector<16xi32>], vector<16xf32>,
    %add3A_76 = arith.addf %add3A_71, %gather3A_75 : vector<16xf32>
    %get3A_77 = arith.constant 208 : index
    %get3A_78 = tpu.vector_load %arg12[%get3A_77] {strides = array<i32>} : memref<512xf32, #tpu.memory_space<vmem>>, vector<16xf32>,
    %convert_element_type3A_79 = arith.fptosi %get3A_78 : vector<16xf32> to vector<16xi32>
    %gather3A_80 = tpu.vector_load_idx %arg13[%convert_element_type3A_79] : memref<4104xf32, #tpu.memory_space<vmem>>[vector<16xi32>], vector<16xf32>,
    %add3A_81 = arith.addf %add3A_76, %gather3A_80 : vector<16xf32>
    %get3A_82 = arith.constant 224 : index
    %get3A_83 = tpu.vector_load %arg12[%get3A_82] {strides = array<i32>} : memref<512xf32, #tpu.memory_space<vmem>>, vector<16xf32>,
    %convert_element_type3A_84 = arith.fptosi %get3A_83 : vector<16xf32> to vector<16xi32>
    %gather3A_85 = tpu.vector_load_idx %arg13[%convert_element_type3A_84] : memref<4104xf32, #tpu.memory_space<vmem>>[vector<16xi32>], vector<16xf32>,
    %add3A_86 = arith.addf %add3A_81, %gather3A_85 : vector<16xf32>
    %get3A_87 = arith.constant 240 : index
    %get3A_88 = tpu.vector_load %arg12[%get3A_87] {strides = array<i32>} : memref<512xf32, #tpu.memory_space<vmem>>, vector<16xf32>,
    %convert_element_type3A_89 = arith.fptosi %get3A_88 : vector<16xf32> to vector<16xi32>
    %gather3A_90 = tpu.vector_load_idx %arg13[%convert_element_type3A_89] : memref<4104xf32, #tpu.memory_space<vmem>>[vector<16xi32>], vector<16xf32>,
    %add3A_91 = arith.addf %add3A_86, %gather3A_90 : vector<16xf32>
    %get3A_92 = arith.constant 256 : index
    %get3A_93 = tpu.vector_load %arg12[%get3A_92] {strides = array<i32>} : memref<512xf32, #tpu.memory_space<vmem>>, vector<16xf32>,
    %convert_element_type3A_94 = arith.fptosi %get3A_93 : vector<16xf32> to vector<16xi32>
    %gather3A_95 = tpu.vector_load_idx %arg13[%convert_element_type3A_94] : memref<4104xf32, #tpu.memory_space<vmem>>[vector<16xi32>], vector<16xf32>,
    %add3A_96 = arith.addf %add3A_91, %gather3A_95 : vector<16xf32>
    %get3A_97 = arith.constant 272 : index
    %get3A_98 = tpu.vector_load %arg12[%get3A_97] {strides = array<i32>} : memref<512xf32, #tpu.memory_space<vmem>>, vector<16xf32>,
    %convert_element_type3A_99 = arith.fptosi %get3A_98 : vector<16xf32> to vector<16xi32>
    %gather3A_100 = tpu.vector_load_idx %arg13[%convert_element_type3A_99] : memref<4104xf32, #tpu.memory_space<vmem>>[vector<16xi32>], vector<16xf32>,
    %add3A_101 = arith.addf %add3A_96, %gather3A_100 : vector<16xf32>
    %get3A_102 = arith.constant 288 : index
    %get3A_103 = tpu.vector_load %arg12[%get3A_102] {strides = array<i32>} : memref<512xf32, #tpu.memory_space<vmem>>, vector<16xf32>,
    %convert_element_type3A_104 = arith.fptosi %get3A_103 : vector<16xf32> to vector<16xi32>
    %gather3A_105 = tpu.vector_load_idx %arg13[%convert_element_type3A_104] : memref<4104xf32, #tpu.memory_space<vmem>>[vector<16xi32>], vector<16xf32>,
    %add3A_106 = arith.addf %add3A_101, %gather3A_105 : vector<16xf32>
    %get3A_107 = arith.constant 304 : index
    %get3A_108 = tpu.vector_load %arg12[%get3A_107] {strides = array<i32>} : memref<512xf32, #tpu.memory_space<vmem>>, vector<16xf32>,
    %convert_element_type3A_109 = arith.fptosi %get3A_108 : vector<16xf32> to vector<16xi32>
    %gather3A_110 = tpu.vector_load_idx %arg13[%convert_element_type3A_109] : memref<4104xf32, #tpu.memory_space<vmem>>[vector<16xi32>], vector<16xf32>,
    %add3A_111 = arith.addf %add3A_106, %gather3A_110 : vector<16xf32>
    %get3A_112 = arith.constant 320 : index
    %get3A_113 = tpu.vector_load %arg12[%get3A_112] {strides = array<i32>} : memref<512xf32, #tpu.memory_space<vmem>>, vector<16xf32>,
    %convert_element_type3A_114 = arith.fptosi %get3A_113 : vector<16xf32> to vector<16xi32>
    %gather3A_115 = tpu.vector_load_idx %arg13[%convert_element_type3A_114] : memref<4104xf32, #tpu.memory_space<vmem>>[vector<16xi32>], vector<16xf32>,
    %add3A_116 = arith.addf %add3A_111, %gather3A_115 : vector<16xf32>
    %get3A_117 = arith.constant 336 : index
    %get3A_118 = tpu.vector_load %arg12[%get3A_117] {strides = array<i32>} : memref<512xf32, #tpu.memory_space<vmem>>, vector<16xf32>,
    %convert_element_type3A_119 = arith.fptosi %get3A_118 : vector<16xf32> to vector<16xi32>
    %gather3A_120 = tpu.vector_load_idx %arg13[%convert_element_type3A_119] : memref<4104xf32, #tpu.memory_space<vmem>>[vector<16xi32>], vector<16xf32>,
    %add3A_121 = arith.addf %add3A_116, %gather3A_120 : vector<16xf32>
    %get3A_122 = arith.constant 352 : index
    %get3A_123 = tpu.vector_load %arg12[%get3A_122] {strides = array<i32>} : memref<512xf32, #tpu.memory_space<vmem>>, vector<16xf32>,
    %convert_element_type3A_124 = arith.fptosi %get3A_123 : vector<16xf32> to vector<16xi32>
    %gather3A_125 = tpu.vector_load_idx %arg13[%convert_element_type3A_124] : memref<4104xf32, #tpu.memory_space<vmem>>[vector<16xi32>], vector<16xf32>,
    %add3A_126 = arith.addf %add3A_121, %gather3A_125 : vector<16xf32>
    %get3A_127 = arith.constant 368 : index
    %get3A_128 = tpu.vector_load %arg12[%get3A_127] {strides = array<i32>} : memref<512xf32, #tpu.memory_space<vmem>>, vector<16xf32>,
    %convert_element_type3A_129 = arith.fptosi %get3A_128 : vector<16xf32> to vector<16xi32>
    %gather3A_130 = tpu.vector_load_idx %arg13[%convert_element_type3A_129] : memref<4104xf32, #tpu.memory_space<vmem>>[vector<16xi32>], vector<16xf32>,
    %add3A_131 = arith.addf %add3A_126, %gather3A_130 : vector<16xf32>
    %get3A_132 = arith.constant 384 : index
    %get3A_133 = tpu.vector_load %arg12[%get3A_132] {strides = array<i32>} : memref<512xf32, #tpu.memory_space<vmem>>, vector<16xf32>,
    %convert_element_type3A_134 = arith.fptosi %get3A_133 : vector<16xf32> to vector<16xi32>
    %gather3A_135 = tpu.vector_load_idx %arg13[%convert_element_type3A_134] : memref<4104xf32, #tpu.memory_space<vmem>>[vector<16xi32>], vector<16xf32>,
    %add3A_136 = arith.addf %add3A_131, %gather3A_135 : vector<16xf32>
    %get3A_137 = arith.constant 400 : index
    %get3A_138 = tpu.vector_load %arg12[%get3A_137] {strides = array<i32>} : memref<512xf32, #tpu.memory_space<vmem>>, vector<16xf32>,
    %convert_element_type3A_139 = arith.fptosi %get3A_138 : vector<16xf32> to vector<16xi32>
    %gather3A_140 = tpu.vector_load_idx %arg13[%convert_element_type3A_139] : memref<4104xf32, #tpu.memory_space<vmem>>[vector<16xi32>], vector<16xf32>,
    %add3A_141 = arith.addf %add3A_136, %gather3A_140 : vector<16xf32>
    %get3A_142 = arith.constant 416 : index
    %get3A_143 = tpu.vector_load %arg12[%get3A_142] {strides = array<i32>} : memref<512xf32, #tpu.memory_space<vmem>>, vector<16xf32>,
    %convert_element_type3A_144 = arith.fptosi %get3A_143 : vector<16xf32> to vector<16xi32>
    %gather3A_145 = tpu.vector_load_idx %arg13[%convert_element_type3A_144] : memref<4104xf32, #tpu.memory_space<vmem>>[vector<16xi32>], vector<16xf32>,
    %add3A_146 = arith.addf %add3A_141, %gather3A_145 : vector<16xf32>
    %get3A_147 = arith.constant 432 : index
    %get3A_148 = tpu.vector_load %arg12[%get3A_147] {strides = array<i32>} : memref<512xf32, #tpu.memory_space<vmem>>, vector<16xf32>,
    %convert_element_type3A_149 = arith.fptosi %get3A_148 : vector<16xf32> to vector<16xi32>
    %gather3A_150 = tpu.vector_load_idx %arg13[%convert_element_type3A_149] : memref<4104xf32, #tpu.memory_space<vmem>>[vector<16xi32>], vector<16xf32>,
    %add3A_151 = arith.addf %add3A_146, %gather3A_150 : vector<16xf32>
    %get3A_152 = arith.constant 448 : index
    %get3A_153 = tpu.vector_load %arg12[%get3A_152] {strides = array<i32>} : memref<512xf32, #tpu.memory_space<vmem>>, vector<16xf32>,
    %convert_element_type3A_154 = arith.fptosi %get3A_153 : vector<16xf32> to vector<16xi32>
    %gather3A_155 = tpu.vector_load_idx %arg13[%convert_element_type3A_154] : memref<4104xf32, #tpu.memory_space<vmem>>[vector<16xi32>], vector<16xf32>,
    %add3A_156 = arith.addf %add3A_151, %gather3A_155 : vector<16xf32>
    %get3A_157 = arith.constant 464 : index
    %get3A_158 = tpu.vector_load %arg12[%get3A_157] {strides = array<i32>} : memref<512xf32, #tpu.memory_space<vmem>>, vector<16xf32>,
    %convert_element_type3A_159 = arith.fptosi %get3A_158 : vector<16xf32> to vector<16xi32>
    %gather3A_160 = tpu.vector_load_idx %arg13[%convert_element_type3A_159] : memref<4104xf32, #tpu.memory_space<vmem>>[vector<16xi32>], vector<16xf32>,
    %add3A_161 = arith.addf %add3A_156, %gather3A_160 : vector<16xf32>
    %get3A_162 = arith.constant 480 : index
    %get3A_163 = tpu.vector_load %arg12[%get3A_162] {strides = array<i32>} : memref<512xf32, #tpu.memory_space<vmem>>, vector<16xf32>,
    %convert_element_type3A_164 = arith.fptosi %get3A_163 : vector<16xf32> to vector<16xi32>
    %gather3A_165 = tpu.vector_load_idx %arg13[%convert_element_type3A_164] : memref<4104xf32, #tpu.memory_space<vmem>>[vector<16xi32>], vector<16xf32>,
    %add3A_166 = arith.addf %add3A_161, %gather3A_165 : vector<16xf32>
    %get3A_167 = arith.constant 496 : index
    %get3A_168 = tpu.vector_load %arg12[%get3A_167] {strides = array<i32>} : memref<512xf32, #tpu.memory_space<vmem>>, vector<16xf32>,
    %convert_element_type3A_169 = arith.fptosi %get3A_168 : vector<16xf32> to vector<16xi32>
    %gather3A_170 = tpu.vector_load_idx %arg13[%convert_element_type3A_169] : memref<4104xf32, #tpu.memory_space<vmem>>[vector<16xi32>], vector<16xf32>,
    %add3A_171 = arith.addf %add3A_166, %gather3A_170 : vector<16xf32>
    %swap3A = arith.constant 0 : index
    %swap3A_172 = tpu.vector_load %arg14[%swap3A] {strides = array<i32>} : memref<16xf32, #tpu.memory_space<vmem>>, vector<16xf32>,
    tpu.vector_store %arg14[%swap3A], %add3A_171 {strides = array<i32>} : memref<16xf32, #tpu.memory_space<vmem>>, vector<16xf32>,
    "tpu.region"() ({
      %run_scoped3A = tpu.sem_alloc : memref<!tpu.dma_semaphore, #tpu.memory_space<semaphore_mem>>
      %dma_start3A_183 = arith.constant 0 : i32
      %dma_start3A_184 = tpu.memref_slice %arg17[%arg1, %dma_start3A_183] : memref<16x16xf32, #tpu.memory_space<vmem_shared>> -> memref<1x16xf32, #tpu.memory_space<vmem_shared>>
      %dma_start3A_185 = tpu.memref_squeeze %dma_start3A_184 : memref<1x16xf32, #tpu.memory_space<vmem_shared>> -> memref<16xf32, #tpu.memory_space<vmem_shared>>
      %dma_start3A_186 = arith.constant 0 : i32
      %dma_start3A_187 = tpu.memref_slice %arg17[%arg1, %dma_start3A_186] : memref<16x16xf32, #tpu.memory_space<vmem_shared>> -> memref<1x16xf32, #tpu.memory_space<vmem_shared>>
      %dma_start3A_188 = tpu.memref_squeeze %dma_start3A_187 : memref<1x16xf32, #tpu.memory_space<vmem_shared>> -> memref<16xf32, #tpu.memory_space<vmem_shared>>
      tpu.enqueue_dma source(%arg14 : memref<16xf32, #tpu.memory_space<vmem>>) target(%dma_start3A_188 : memref<16xf32, #tpu.memory_space<vmem_shared>>) target_semaphore(%run_scoped3A : memref<!tpu.dma_semaphore, #tpu.memory_space<semaphore_mem>>)
      %dma_wait3A_189 = arith.constant 0 : i32
      %dma_wait3A_190 = tpu.memref_slice %arg17[%arg1, %dma_wait3A_189] : memref<16x16xf32, #tpu.memory_space<vmem_shared>> -> memref<1x16xf32, #tpu.memory_space<vmem_shared>>
      %dma_wait3A_191 = tpu.memref_squeeze %dma_wait3A_190 : memref<1x16xf32, #tpu.memory_space<vmem_shared>> -> memref<16xf32, #tpu.memory_space<vmem_shared>>
      %dma_wait3A_192 = arith.constant 0 : i32
      %dma_wait3A_193 = tpu.memref_slice %arg17[%arg1, %dma_wait3A_192] : memref<16x16xf32, #tpu.memory_space<vmem_shared>> -> memref<1x16xf32, #tpu.memory_space<vmem_shared>>
      %dma_wait3A_194 = tpu.memref_squeeze %dma_wait3A_193 : memref<1x16xf32, #tpu.memory_space<vmem_shared>> -> memref<16xf32, #tpu.memory_space<vmem_shared>>
      tpu.wait_dma2 semaphore(%run_scoped3A : memref<!tpu.dma_semaphore, #tpu.memory_space<semaphore_mem>>) src(%arg14 : memref<16xf32, #tpu.memory_space<vmem>>) dst(%dma_wait3A_194 : memref<16xf32, #tpu.memory_space<vmem_shared>>)
      tpu.yield
    }) : () -> ()
    %barrier3A_173 = arith.constant 0 : index
    tpu.barrier barrier_id(%barrier3A_173)
    %eq3A_174 = arith.constant 0 : i32
    %eq3A_175 = arith.cmpi eq, %arg1, %eq3A_174 : i32
    %convert_element_type3A_176 = arith.extui %eq3A_175 : i1 to i32
    %cond3A_177 = arith.constant 0 : i32
    %cond3A_178 = arith.cmpi ne, %convert_element_type3A_176, %cond3A_177 : i32
    scf.if %cond3A_178 {
      "tpu.region"() ({
        %run_scoped3A = tpu.sem_alloc : memref<!tpu.dma_semaphore, #tpu.memory_space<semaphore_mem>>
        tpu.enqueue_dma source(%arg17 : memref<16x16xf32, #tpu.memory_space<vmem_shared>>) target(%arg15 : memref<16x16xf32, #tpu.memory_space<vmem>>) target_semaphore(%run_scoped3A : memref<!tpu.dma_semaphore, #tpu.memory_space<semaphore_mem>>)
        tpu.wait_dma2 semaphore(%run_scoped3A : memref<!tpu.dma_semaphore, #tpu.memory_space<semaphore_mem>>) src(%arg17 : memref<16x16xf32, #tpu.memory_space<vmem_shared>>) dst(%arg15 : memref<16x16xf32, #tpu.memory_space<vmem>>)
        tpu.yield
      }) : () -> ()
      %broadcast_in_dim3A_183 = arith.constant 0.000000e+00 : f32
      %broadcast_in_dim3A_184 = vector.broadcast %broadcast_in_dim3A_183 : f32 to vector<16xf32>
      %get3A_185 = arith.constant 0 : i32
      %get3A_186 = arith.index_cast %get3A_185 : i32 to index
      %get3A_187 = arith.constant 0 : index
      %get3A_188 = tpu.vector_load %arg15[%get3A_186, %get3A_187] {strides = array<i32>} : memref<16x16xf32, #tpu.memory_space<vmem>>, vector<16xf32>,
      %add3A_189 = arith.addf %broadcast_in_dim3A_184, %get3A_188 : vector<16xf32>
      %get3A_190 = arith.constant 1 : i32
      %get3A_191 = arith.index_cast %get3A_190 : i32 to index
      %get3A_192 = arith.constant 0 : index
      %get3A_193 = tpu.vector_load %arg15[%get3A_191, %get3A_192] {strides = array<i32>} : memref<16x16xf32, #tpu.memory_space<vmem>>, vector<16xf32>,
      %add3A_194 = arith.addf %add3A_189, %get3A_193 : vector<16xf32>
      %get3A_195 = arith.constant 2 : i32
      %get3A_196 = arith.index_cast %get3A_195 : i32 to index
      %get3A_197 = arith.constant 0 : index
      %get3A_198 = tpu.vector_load %arg15[%get3A_196, %get3A_197] {strides = array<i32>} : memref<16x16xf32, #tpu.memory_space<vmem>>, vector<16xf32>,
      %add3A_199 = arith.addf %add3A_194, %get3A_198 : vector<16xf32>
      %get3A_200 = arith.constant 3 : i32
      %get3A_201 = arith.index_cast %get3A_200 : i32 to index
      %get3A_202 = arith.constant 0 : index
      %get3A_203 = tpu.vector_load %arg15[%get3A_201, %get3A_202] {strides = array<i32>} : memref<16x16xf32, #tpu.memory_space<vmem>>, vector<16xf32>,
      %add3A_204 = arith.addf %add3A_199, %get3A_203 : vector<16xf32>
      %get3A_205 = arith.constant 4 : i32
      %get3A_206 = arith.index_cast %get3A_205 : i32 to index
      %get3A_207 = arith.constant 0 : index
      %get3A_208 = tpu.vector_load %arg15[%get3A_206, %get3A_207] {strides = array<i32>} : memref<16x16xf32, #tpu.memory_space<vmem>>, vector<16xf32>,
      %add3A_209 = arith.addf %add3A_204, %get3A_208 : vector<16xf32>
      %get3A_210 = arith.constant 5 : i32
      %get3A_211 = arith.index_cast %get3A_210 : i32 to index
      %get3A_212 = arith.constant 0 : index
      %get3A_213 = tpu.vector_load %arg15[%get3A_211, %get3A_212] {strides = array<i32>} : memref<16x16xf32, #tpu.memory_space<vmem>>, vector<16xf32>,
      %add3A_214 = arith.addf %add3A_209, %get3A_213 : vector<16xf32>
      %get3A_215 = arith.constant 6 : i32
      %get3A_216 = arith.index_cast %get3A_215 : i32 to index
      %get3A_217 = arith.constant 0 : index
      %get3A_218 = tpu.vector_load %arg15[%get3A_216, %get3A_217] {strides = array<i32>} : memref<16x16xf32, #tpu.memory_space<vmem>>, vector<16xf32>,
      %add3A_219 = arith.addf %add3A_214, %get3A_218 : vector<16xf32>
      %get3A_220 = arith.constant 7 : i32
      %get3A_221 = arith.index_cast %get3A_220 : i32 to index
      %get3A_222 = arith.constant 0 : index
      %get3A_223 = tpu.vector_load %arg15[%get3A_221, %get3A_222] {strides = array<i32>} : memref<16x16xf32, #tpu.memory_space<vmem>>, vector<16xf32>,
      %add3A_224 = arith.addf %add3A_219, %get3A_223 : vector<16xf32>
      %get3A_225 = arith.constant 8 : i32
      %get3A_226 = arith.index_cast %get3A_225 : i32 to index
      %get3A_227 = arith.constant 0 : index
      %get3A_228 = tpu.vector_load %arg15[%get3A_226, %get3A_227] {strides = array<i32>} : memref<16x16xf32, #tpu.memory_space<vmem>>, vector<16xf32>,
      %add3A_229 = arith.addf %add3A_224, %get3A_228 : vector<16xf32>
      %get3A_230 = arith.constant 9 : i32
      %get3A_231 = arith.index_cast %get3A_230 : i32 to index
      %get3A_232 = arith.constant 0 : index
      %get3A_233 = tpu.vector_load %arg15[%get3A_231, %get3A_232] {strides = array<i32>} : memref<16x16xf32, #tpu.memory_space<vmem>>, vector<16xf32>,
      %add3A_234 = arith.addf %add3A_229, %get3A_233 : vector<16xf32>
      %get3A_235 = arith.constant 10 : i32
      %get3A_236 = arith.index_cast %get3A_235 : i32 to index
      %get3A_237 = arith.constant 0 : index
      %get3A_238 = tpu.vector_load %arg15[%get3A_236, %get3A_237] {strides = array<i32>} : memref<16x16xf32, #tpu.memory_space<vmem>>, vector<16xf32>,
      %add3A_239 = arith.addf %add3A_234, %get3A_238 : vector<16xf32>
      %get3A_240 = arith.constant 11 : i32
      %get3A_241 = arith.index_cast %get3A_240 : i32 to index
      %get3A_242 = arith.constant 0 : index
      %get3A_243 = tpu.vector_load %arg15[%get3A_241, %get3A_242] {strides = array<i32>} : memref<16x16xf32, #tpu.memory_space<vmem>>, vector<16xf32>,
      %add3A_244 = arith.addf %add3A_239, %get3A_243 : vector<16xf32>
      %get3A_245 = arith.constant 12 : i32
      %get3A_246 = arith.index_cast %get3A_245 : i32 to index
      %get3A_247 = arith.constant 0 : index
      %get3A_248 = tpu.vector_load %arg15[%get3A_246, %get3A_247] {strides = array<i32>} : memref<16x16xf32, #tpu.memory_space<vmem>>, vector<16xf32>,
      %add3A_249 = arith.addf %add3A_244, %get3A_248 : vector<16xf32>
      %get3A_250 = arith.constant 13 : i32
      %get3A_251 = arith.index_cast %get3A_250 : i32 to index
      %get3A_252 = arith.constant 0 : index
      %get3A_253 = tpu.vector_load %arg15[%get3A_251, %get3A_252] {strides = array<i32>} : memref<16x16xf32, #tpu.memory_space<vmem>>, vector<16xf32>,
      %add3A_254 = arith.addf %add3A_249, %get3A_253 : vector<16xf32>
      %get3A_255 = arith.constant 14 : i32
      %get3A_256 = arith.index_cast %get3A_255 : i32 to index
      %get3A_257 = arith.constant 0 : index
      %get3A_258 = tpu.vector_load %arg15[%get3A_256, %get3A_257] {strides = array<i32>} : memref<16x16xf32, #tpu.memory_space<vmem>>, vector<16xf32>,
      %add3A_259 = arith.addf %add3A_254, %get3A_258 : vector<16xf32>
      %get3A_260 = arith.constant 15 : i32
      %get3A_261 = arith.index_cast %get3A_260 : i32 to index
      %get3A_262 = arith.constant 0 : index
      %get3A_263 = tpu.vector_load %arg15[%get3A_261, %get3A_262] {strides = array<i32>} : memref<16x16xf32, #tpu.memory_space<vmem>>, vector<16xf32>,
      %add3A_264 = arith.addf %add3A_259, %get3A_263 : vector<16xf32>
      %reduce_sum3A = arith.constant true
      %reduce_sum3A_265 = vector.broadcast %reduce_sum3A : i1 to vector<16xi1>
      %reduce_sum3A_266 = tpu.scan <sum>, %add3A_264 masked %reduce_sum3A_265 : vector<16xf32>, vector<16xi1> -> vector<16xf32>
      %reduce_sum3A_267 = vector.extract %reduce_sum3A_266[15] : f32 from vector<16xf32>
      %broadcast_in_dim3A_268 = vector.broadcast %reduce_sum3A_267 : f32 to vector<16xf32>
      %exp3A = math.exp %broadcast_in_dim3A_268 : vector<16xf32>
      %swap3A_269 = arith.constant 0 : index
      %swap3A_270 = tpu.vector_load %arg14[%swap3A_269] {strides = array<i32>} : memref<16xf32, #tpu.memory_space<vmem>>, vector<16xf32>,
      tpu.vector_store %arg14[%swap3A_269], %exp3A {strides = array<i32>} : memref<16xf32, #tpu.memory_space<vmem>>, vector<16xf32>,
      "tpu.region"() ({
        %run_scoped3A = tpu.sem_alloc : memref<!tpu.dma_semaphore, #tpu.memory_space<semaphore_mem>>
        tpu.enqueue_dma source(%arg14 : memref<16xf32, #tpu.memory_space<vmem>>) target(%arg8 : memref<16xf32, #tpu.memory_space<hbm>>) target_semaphore(%run_scoped3A : memref<!tpu.dma_semaphore, #tpu.memory_space<semaphore_mem>>)
        tpu.wait_dma2 semaphore(%run_scoped3A : memref<!tpu.dma_semaphore, #tpu.memory_space<semaphore_mem>>) src(%arg14 : memref<16xf32, #tpu.memory_space<vmem>>) dst(%arg8 : memref<16xf32, #tpu.memory_space<hbm>>)
        tpu.yield
      }) : () -> ()
    } else {
    }
    %dma_wait3A_179 = arith.constant 0 : i32
    %dma_wait3A_180 = tpu.memref_slice %arg7[%mul3A_0, %dma_wait3A_179] : memref<4096x32xf32, #tpu.memory_space<hbm>> -> memref<256x32xf32, #tpu.memory_space<hbm>>
    %dma_wait3A_181 = arith.constant 0 : i32
    %dma_wait3A_182 = tpu.memref_slice %arg7[%mul3A_0, %dma_wait3A_181] : memref<4096x32xf32, #tpu.memory_space<hbm>> -> memref<256x32xf32, #tpu.memory_space<hbm>>
    tpu.wait_dma2 semaphore(%arg19 : memref<!tpu.dma_semaphore, #tpu.memory_space<semaphore_mem>>) src(%arg10 : memref<256x32xf32, #tpu.memory_space<vmem>>) dst(%dma_wait3A_182 : memref<256x32xf32, #tpu.memory_space<hbm>>)
    return
  }
}

module attributes {stable_mosaic.version = 14 : i64} {
  func.func @_argmin_body(%arg0: memref<4096x32xf32, #tpu.memory_space<vmem>>, %arg1: memref<8192x32xf32, #tpu.memory_space<vmem>>, %arg2: memref<4096x1xf32, #tpu.memory_space<vmem>>, %arg3: memref<8x1x1024xf32, #tpu.memory_space<vmem>>, %arg4: memref<4096x1xi32, #tpu.memory_space<vmem>>, %arg5: memref<1x1xf32, #tpu.memory_space<smem>>) attributes {dimension_semantics = [], scalar_prefetch = 0 : i64, scratch_operands = 0 : i64, tpu.core_type = #tpu.core_type<tc>} {
    %get3A = arith.constant 0 : index
    %get3A_0 = arith.constant 0 : index
    %get3A_1 = vector.load %arg0[%get3A, %get3A_0] : memref<4096x32xf32, #tpu.memory_space<vmem>>, vector<4096x32xf32>
    %mul3A = arith.constant 2.000000e+00 : f32
    %mul3A_2 = vector.broadcast %mul3A : f32 to vector<4096x32xf32>
    %mul3A_3 = arith.mulf %mul3A_2, %get3A_1 : vector<4096x32xf32>
    %get3A_4 = arith.constant 0 : index
    %get3A_5 = arith.constant 0 : index
    %get3A_6 = vector.load %arg2[%get3A_4, %get3A_5] : memref<4096x1xf32, #tpu.memory_space<vmem>>, vector<4096x1xf32>
    %get3A_7 = arith.constant 0 : index
    %get3A_8 = arith.constant 0 : index
    %get3A_9 = vector.load %arg1[%get3A_7, %get3A_8] : memref<8192x32xf32, #tpu.memory_space<vmem>>, vector<256x32xf32>
    %dot_general3A = arith.constant dense<0.000000e+00> : vector<4096x256xf32>
    %dot_general3A_10 = tpu.matmul %mul3A_3, %get3A_9, %dot_general3A {dimension_numbers = #tpu.dot_dimension_numbers<[1], [1], [0], [0], [0, 0, 1, 0], [], []>, transpose_lhs_hint = false} : vector<4096x32xf32>, vector<256x32xf32>, vector<4096x256xf32> -> vector<4096x256xf32>
    %get3A_11 = arith.constant 256 : index
    %get3A_12 = arith.constant 0 : index
    %get3A_13 = vector.load %arg1[%get3A_11, %get3A_12] : memref<8192x32xf32, #tpu.memory_space<vmem>>, vector<256x32xf32>
    %dot_general3A_14 = arith.constant dense<0.000000e+00> : vector<4096x256xf32>
    %dot_general3A_15 = tpu.matmul %mul3A_3, %get3A_13, %dot_general3A_14 {dimension_numbers = #tpu.dot_dimension_numbers<[1], [1], [0], [0], [0, 0, 1, 0], [], []>, transpose_lhs_hint = false} : vector<4096x32xf32>, vector<256x32xf32>, vector<4096x256xf32> -> vector<4096x256xf32>
    %get3A_16 = arith.constant 0 : index
    %get3A_17 = arith.constant 0 : index
    %get3A_18 = arith.constant 0 : index
    %get3A_19 = vector.load %arg3[%get3A_16, %get3A_17, %get3A_18] : memref<8x1x1024xf32, #tpu.memory_space<vmem>>, vector<1x1x128xf32>
    %get3A_20 = vector.shape_cast %get3A_19 : vector<1x1x128xf32> to vector<1x128xf32>
    %add3A = vector.broadcast %get3A_6 : vector<4096x1xf32> to vector<4096x128xf32>
    %add3A_21 = vector.broadcast %get3A_20 : vector<1x128xf32> to vector<4096x128xf32>
    %add3A_22 = arith.addf %add3A, %add3A_21 : vector<4096x128xf32>
    %slice3A = vector.extract_strided_slice %dot_general3A_10 {offsets = [0, 0], sizes = [4096, 128], strides = [1, 1]} : vector<4096x256xf32> to vector<4096x128xf32>
    %sub3A = arith.subf %add3A_22, %slice3A : vector<4096x128xf32>
    %broadcast_in_dim3A = arith.constant 0.000000e+00 : f32
    %broadcast_in_dim3A_23 = vector.broadcast %broadcast_in_dim3A : f32 to vector<4096x128xf32>
    %get3A_24 = arith.constant 0 : index
    %get3A_25 = arith.constant 0 : index
    %get3A_26 = arith.constant 128 : index
    %get3A_27 = vector.load %arg3[%get3A_24, %get3A_25, %get3A_26] : memref<8x1x1024xf32, #tpu.memory_space<vmem>>, vector<1x1x128xf32>
    %get3A_28 = vector.shape_cast %get3A_27 : vector<1x1x128xf32> to vector<1x128xf32>
    %add3A_29 = vector.broadcast %get3A_6 : vector<4096x1xf32> to vector<4096x128xf32>
    %add3A_30 = vector.broadcast %get3A_28 : vector<1x128xf32> to vector<4096x128xf32>
    %add3A_31 = arith.addf %add3A_29, %add3A_30 : vector<4096x128xf32>
    %slice3A_32 = vector.extract_strided_slice %dot_general3A_10 {offsets = [0, 128], sizes = [4096, 128], strides = [1, 1]} : vector<4096x256xf32> to vector<4096x128xf32>
    %sub3A_33 = arith.subf %add3A_31, %slice3A_32 : vector<4096x128xf32>
    %lt3A = arith.cmpf olt, %sub3A_33, %sub3A : vector<4096x128xf32>
    %select_n3A = arith.select %lt3A, %sub3A_33, %sub3A : vector<4096x128xi1>, vector<4096x128xf32>
    %mul3A_34 = arith.constant 1.000000e+00 : f32
    %mul3A_35 = arith.constant 1.000000e+00 : f32
    %mul3A_36 = arith.mulf %mul3A_34, %mul3A_35 : f32
    %broadcast_in_dim3A_37 = vector.broadcast %mul3A_36 : f32 to vector<4096x128xf32>
    %select_n3A_38 = arith.select %lt3A, %broadcast_in_dim3A_37, %broadcast_in_dim3A_23 : vector<4096x128xi1>, vector<4096x128xf32>
    %get3A_39 = arith.constant 512 : index
    %get3A_40 = arith.constant 0 : index
    %get3A_41 = vector.load %arg1[%get3A_39, %get3A_40] : memref<8192x32xf32, #tpu.memory_space<vmem>>, vector<256x32xf32>
    %dot_general3A_42 = arith.constant dense<0.000000e+00> : vector<4096x256xf32>
    %dot_general3A_43 = tpu.matmul %mul3A_3, %get3A_41, %dot_general3A_42 {dimension_numbers = #tpu.dot_dimension_numbers<[1], [1], [0], [0], [0, 0, 1, 0], [], []>, transpose_lhs_hint = false} : vector<4096x32xf32>, vector<256x32xf32>, vector<4096x256xf32> -> vector<4096x256xf32>
    %get3A_44 = arith.constant 0 : index
    %get3A_45 = arith.constant 0 : index
    %get3A_46 = arith.constant 256 : index
    %get3A_47 = vector.load %arg3[%get3A_44, %get3A_45, %get3A_46] : memref<8x1x1024xf32, #tpu.memory_space<vmem>>, vector<1x1x128xf32>
    %get3A_48 = vector.shape_cast %get3A_47 : vector<1x1x128xf32> to vector<1x128xf32>
    %add3A_49 = vector.broadcast %get3A_6 : vector<4096x1xf32> to vector<4096x128xf32>
    %add3A_50 = vector.broadcast %get3A_48 : vector<1x128xf32> to vector<4096x128xf32>
    %add3A_51 = arith.addf %add3A_49, %add3A_50 : vector<4096x128xf32>
    %slice3A_52 = vector.extract_strided_slice %dot_general3A_15 {offsets = [0, 0], sizes = [4096, 128], strides = [1, 1]} : vector<4096x256xf32> to vector<4096x128xf32>
    %sub3A_53 = arith.subf %add3A_51, %slice3A_52 : vector<4096x128xf32>
    %lt3A_54 = arith.cmpf olt, %sub3A_53, %select_n3A : vector<4096x128xf32>
    %select_n3A_55 = arith.select %lt3A_54, %sub3A_53, %select_n3A : vector<4096x128xi1>, vector<4096x128xf32>
    %mul3A_56 = arith.constant 1.000000e+00 : f32
    %mul3A_57 = arith.constant 2.000000e+00 : f32
    %mul3A_58 = arith.mulf %mul3A_56, %mul3A_57 : f32
    %broadcast_in_dim3A_59 = vector.broadcast %mul3A_58 : f32 to vector<4096x128xf32>
    %select_n3A_60 = arith.select %lt3A_54, %broadcast_in_dim3A_59, %select_n3A_38 : vector<4096x128xi1>, vector<4096x128xf32>
    %get3A_61 = arith.constant 0 : index
    %get3A_62 = arith.constant 0 : index
    %get3A_63 = arith.constant 384 : index
    %get3A_64 = vector.load %arg3[%get3A_61, %get3A_62, %get3A_63] : memref<8x1x1024xf32, #tpu.memory_space<vmem>>, vector<1x1x128xf32>
    %get3A_65 = vector.shape_cast %get3A_64 : vector<1x1x128xf32> to vector<1x128xf32>
    %add3A_66 = vector.broadcast %get3A_6 : vector<4096x1xf32> to vector<4096x128xf32>
    %add3A_67 = vector.broadcast %get3A_65 : vector<1x128xf32> to vector<4096x128xf32>
    %add3A_68 = arith.addf %add3A_66, %add3A_67 : vector<4096x128xf32>
    %slice3A_69 = vector.extract_strided_slice %dot_general3A_15 {offsets = [0, 128], sizes = [4096, 128], strides = [1, 1]} : vector<4096x256xf32> to vector<4096x128xf32>
    %sub3A_70 = arith.subf %add3A_68, %slice3A_69 : vector<4096x128xf32>
    %lt3A_71 = arith.cmpf olt, %sub3A_70, %select_n3A_55 : vector<4096x128xf32>
    %select_n3A_72 = arith.select %lt3A_71, %sub3A_70, %select_n3A_55 : vector<4096x128xi1>, vector<4096x128xf32>
    %mul3A_73 = arith.constant 1.000000e+00 : f32
    %mul3A_74 = arith.constant 3.000000e+00 : f32
    %mul3A_75 = arith.mulf %mul3A_73, %mul3A_74 : f32
    %broadcast_in_dim3A_76 = vector.broadcast %mul3A_75 : f32 to vector<4096x128xf32>
    %select_n3A_77 = arith.select %lt3A_71, %broadcast_in_dim3A_76, %select_n3A_60 : vector<4096x128xi1>, vector<4096x128xf32>
    %get3A_78 = arith.constant 768 : index
    %get3A_79 = arith.constant 0 : index
    %get3A_80 = vector.load %arg1[%get3A_78, %get3A_79] : memref<8192x32xf32, #tpu.memory_space<vmem>>, vector<256x32xf32>
    %dot_general3A_81 = arith.constant dense<0.000000e+00> : vector<4096x256xf32>
    %dot_general3A_82 = tpu.matmul %mul3A_3, %get3A_80, %dot_general3A_81 {dimension_numbers = #tpu.dot_dimension_numbers<[1], [1], [0], [0], [0, 0, 1, 0], [], []>, transpose_lhs_hint = false} : vector<4096x32xf32>, vector<256x32xf32>, vector<4096x256xf32> -> vector<4096x256xf32>
    %get3A_83 = arith.constant 0 : index
    %get3A_84 = arith.constant 0 : index
    %get3A_85 = arith.constant 512 : index
    %get3A_86 = vector.load %arg3[%get3A_83, %get3A_84, %get3A_85] : memref<8x1x1024xf32, #tpu.memory_space<vmem>>, vector<1x1x128xf32>
    %get3A_87 = vector.shape_cast %get3A_86 : vector<1x1x128xf32> to vector<1x128xf32>
    %add3A_88 = vector.broadcast %get3A_6 : vector<4096x1xf32> to vector<4096x128xf32>
    %add3A_89 = vector.broadcast %get3A_87 : vector<1x128xf32> to vector<4096x128xf32>
    %add3A_90 = arith.addf %add3A_88, %add3A_89 : vector<4096x128xf32>
    %slice3A_91 = vector.extract_strided_slice %dot_general3A_43 {offsets = [0, 0], sizes = [4096, 128], strides = [1, 1]} : vector<4096x256xf32> to vector<4096x128xf32>
    %sub3A_92 = arith.subf %add3A_90, %slice3A_91 : vector<4096x128xf32>
    %lt3A_93 = arith.cmpf olt, %sub3A_92, %select_n3A_72 : vector<4096x128xf32>
    %select_n3A_94 = arith.select %lt3A_93, %sub3A_92, %select_n3A_72 : vector<4096x128xi1>, vector<4096x128xf32>
    %mul3A_95 = arith.constant 1.000000e+00 : f32
    %mul3A_96 = arith.constant 4.000000e+00 : f32
    %mul3A_97 = arith.mulf %mul3A_95, %mul3A_96 : f32
    %broadcast_in_dim3A_98 = vector.broadcast %mul3A_97 : f32 to vector<4096x128xf32>
    %select_n3A_99 = arith.select %lt3A_93, %broadcast_in_dim3A_98, %select_n3A_77 : vector<4096x128xi1>, vector<4096x128xf32>
    %get3A_100 = arith.constant 0 : index
    %get3A_101 = arith.constant 0 : index
    %get3A_102 = arith.constant 640 : index
    %get3A_103 = vector.load %arg3[%get3A_100, %get3A_101, %get3A_102] : memref<8x1x1024xf32, #tpu.memory_space<vmem>>, vector<1x1x128xf32>
    %get3A_104 = vector.shape_cast %get3A_103 : vector<1x1x128xf32> to vector<1x128xf32>
    %add3A_105 = vector.broadcast %get3A_6 : vector<4096x1xf32> to vector<4096x128xf32>
    %add3A_106 = vector.broadcast %get3A_104 : vector<1x128xf32> to vector<4096x128xf32>
    %add3A_107 = arith.addf %add3A_105, %add3A_106 : vector<4096x128xf32>
    %slice3A_108 = vector.extract_strided_slice %dot_general3A_43 {offsets = [0, 128], sizes = [4096, 128], strides = [1, 1]} : vector<4096x256xf32> to vector<4096x128xf32>
    %sub3A_109 = arith.subf %add3A_107, %slice3A_108 : vector<4096x128xf32>
    %lt3A_110 = arith.cmpf olt, %sub3A_109, %select_n3A_94 : vector<4096x128xf32>
    %select_n3A_111 = arith.select %lt3A_110, %sub3A_109, %select_n3A_94 : vector<4096x128xi1>, vector<4096x128xf32>
    %mul3A_112 = arith.constant 1.000000e+00 : f32
    %mul3A_113 = arith.constant 5.000000e+00 : f32
    %mul3A_114 = arith.mulf %mul3A_112, %mul3A_113 : f32
    %broadcast_in_dim3A_115 = vector.broadcast %mul3A_114 : f32 to vector<4096x128xf32>
    %select_n3A_116 = arith.select %lt3A_110, %broadcast_in_dim3A_115, %select_n3A_99 : vector<4096x128xi1>, vector<4096x128xf32>
    %get3A_117 = arith.constant 1024 : index
    %get3A_118 = arith.constant 0 : index
    %get3A_119 = vector.load %arg1[%get3A_117, %get3A_118] : memref<8192x32xf32, #tpu.memory_space<vmem>>, vector<256x32xf32>
    %dot_general3A_120 = arith.constant dense<0.000000e+00> : vector<4096x256xf32>
    %dot_general3A_121 = tpu.matmul %mul3A_3, %get3A_119, %dot_general3A_120 {dimension_numbers = #tpu.dot_dimension_numbers<[1], [1], [0], [0], [0, 0, 1, 0], [], []>, transpose_lhs_hint = false} : vector<4096x32xf32>, vector<256x32xf32>, vector<4096x256xf32> -> vector<4096x256xf32>
    %get3A_122 = arith.constant 0 : index
    %get3A_123 = arith.constant 0 : index
    %get3A_124 = arith.constant 768 : index
    %get3A_125 = vector.load %arg3[%get3A_122, %get3A_123, %get3A_124] : memref<8x1x1024xf32, #tpu.memory_space<vmem>>, vector<1x1x128xf32>
    %get3A_126 = vector.shape_cast %get3A_125 : vector<1x1x128xf32> to vector<1x128xf32>
    %add3A_127 = vector.broadcast %get3A_6 : vector<4096x1xf32> to vector<4096x128xf32>
    %add3A_128 = vector.broadcast %get3A_126 : vector<1x128xf32> to vector<4096x128xf32>
    %add3A_129 = arith.addf %add3A_127, %add3A_128 : vector<4096x128xf32>
    %slice3A_130 = vector.extract_strided_slice %dot_general3A_82 {offsets = [0, 0], sizes = [4096, 128], strides = [1, 1]} : vector<4096x256xf32> to vector<4096x128xf32>
    %sub3A_131 = arith.subf %add3A_129, %slice3A_130 : vector<4096x128xf32>
    %lt3A_132 = arith.cmpf olt, %sub3A_131, %select_n3A_111 : vector<4096x128xf32>
    %select_n3A_133 = arith.select %lt3A_132, %sub3A_131, %select_n3A_111 : vector<4096x128xi1>, vector<4096x128xf32>
    %mul3A_134 = arith.constant 1.000000e+00 : f32
    %mul3A_135 = arith.constant 6.000000e+00 : f32
    %mul3A_136 = arith.mulf %mul3A_134, %mul3A_135 : f32
    %broadcast_in_dim3A_137 = vector.broadcast %mul3A_136 : f32 to vector<4096x128xf32>
    %select_n3A_138 = arith.select %lt3A_132, %broadcast_in_dim3A_137, %select_n3A_116 : vector<4096x128xi1>, vector<4096x128xf32>
    %get3A_139 = arith.constant 0 : index
    %get3A_140 = arith.constant 0 : index
    %get3A_141 = arith.constant 896 : index
    %get3A_142 = vector.load %arg3[%get3A_139, %get3A_140, %get3A_141] : memref<8x1x1024xf32, #tpu.memory_space<vmem>>, vector<1x1x128xf32>
    %get3A_143 = vector.shape_cast %get3A_142 : vector<1x1x128xf32> to vector<1x128xf32>
    %add3A_144 = vector.broadcast %get3A_6 : vector<4096x1xf32> to vector<4096x128xf32>
    %add3A_145 = vector.broadcast %get3A_143 : vector<1x128xf32> to vector<4096x128xf32>
    %add3A_146 = arith.addf %add3A_144, %add3A_145 : vector<4096x128xf32>
    %slice3A_147 = vector.extract_strided_slice %dot_general3A_82 {offsets = [0, 128], sizes = [4096, 128], strides = [1, 1]} : vector<4096x256xf32> to vector<4096x128xf32>
    %sub3A_148 = arith.subf %add3A_146, %slice3A_147 : vector<4096x128xf32>
    %lt3A_149 = arith.cmpf olt, %sub3A_148, %select_n3A_133 : vector<4096x128xf32>
    %select_n3A_150 = arith.select %lt3A_149, %sub3A_148, %select_n3A_133 : vector<4096x128xi1>, vector<4096x128xf32>
    %mul3A_151 = arith.constant 1.000000e+00 : f32
    %mul3A_152 = arith.constant 7.000000e+00 : f32
    %mul3A_153 = arith.mulf %mul3A_151, %mul3A_152 : f32
    %broadcast_in_dim3A_154 = vector.broadcast %mul3A_153 : f32 to vector<4096x128xf32>
    %select_n3A_155 = arith.select %lt3A_149, %broadcast_in_dim3A_154, %select_n3A_138 : vector<4096x128xi1>, vector<4096x128xf32>
    %get3A_156 = arith.constant 1280 : index
    %get3A_157 = arith.constant 0 : index
    %get3A_158 = vector.load %arg1[%get3A_156, %get3A_157] : memref<8192x32xf32, #tpu.memory_space<vmem>>, vector<256x32xf32>
    %dot_general3A_159 = arith.constant dense<0.000000e+00> : vector<4096x256xf32>
    %dot_general3A_160 = tpu.matmul %mul3A_3, %get3A_158, %dot_general3A_159 {dimension_numbers = #tpu.dot_dimension_numbers<[1], [1], [0], [0], [0, 0, 1, 0], [], []>, transpose_lhs_hint = false} : vector<4096x32xf32>, vector<256x32xf32>, vector<4096x256xf32> -> vector<4096x256xf32>
    %get3A_161 = arith.constant 1 : index
    %get3A_162 = arith.constant 0 : index
    %get3A_163 = arith.constant 0 : index
    %get3A_164 = vector.load %arg3[%get3A_161, %get3A_162, %get3A_163] : memref<8x1x1024xf32, #tpu.memory_space<vmem>>, vector<1x1x128xf32>
    %get3A_165 = vector.shape_cast %get3A_164 : vector<1x1x128xf32> to vector<1x128xf32>
    %add3A_166 = vector.broadcast %get3A_6 : vector<4096x1xf32> to vector<4096x128xf32>
    %add3A_167 = vector.broadcast %get3A_165 : vector<1x128xf32> to vector<4096x128xf32>
    %add3A_168 = arith.addf %add3A_166, %add3A_167 : vector<4096x128xf32>
    %slice3A_169 = vector.extract_strided_slice %dot_general3A_121 {offsets = [0, 0], sizes = [4096, 128], strides = [1, 1]} : vector<4096x256xf32> to vector<4096x128xf32>
    %sub3A_170 = arith.subf %add3A_168, %slice3A_169 : vector<4096x128xf32>
    %lt3A_171 = arith.cmpf olt, %sub3A_170, %select_n3A_150 : vector<4096x128xf32>
    %select_n3A_172 = arith.select %lt3A_171, %sub3A_170, %select_n3A_150 : vector<4096x128xi1>, vector<4096x128xf32>
    %mul3A_173 = arith.constant 1.000000e+00 : f32
    %mul3A_174 = arith.constant 8.000000e+00 : f32
    %mul3A_175 = arith.mulf %mul3A_173, %mul3A_174 : f32
    %broadcast_in_dim3A_176 = vector.broadcast %mul3A_175 : f32 to vector<4096x128xf32>
    %select_n3A_177 = arith.select %lt3A_171, %broadcast_in_dim3A_176, %select_n3A_155 : vector<4096x128xi1>, vector<4096x128xf32>
    %get3A_178 = arith.constant 1 : index
    %get3A_179 = arith.constant 0 : index
    %get3A_180 = arith.constant 128 : index
    %get3A_181 = vector.load %arg3[%get3A_178, %get3A_179, %get3A_180] : memref<8x1x1024xf32, #tpu.memory_space<vmem>>, vector<1x1x128xf32>
    %get3A_182 = vector.shape_cast %get3A_181 : vector<1x1x128xf32> to vector<1x128xf32>
    %add3A_183 = vector.broadcast %get3A_6 : vector<4096x1xf32> to vector<4096x128xf32>
    %add3A_184 = vector.broadcast %get3A_182 : vector<1x128xf32> to vector<4096x128xf32>
    %add3A_185 = arith.addf %add3A_183, %add3A_184 : vector<4096x128xf32>
    %slice3A_186 = vector.extract_strided_slice %dot_general3A_121 {offsets = [0, 128], sizes = [4096, 128], strides = [1, 1]} : vector<4096x256xf32> to vector<4096x128xf32>
    %sub3A_187 = arith.subf %add3A_185, %slice3A_186 : vector<4096x128xf32>
    %lt3A_188 = arith.cmpf olt, %sub3A_187, %select_n3A_172 : vector<4096x128xf32>
    %select_n3A_189 = arith.select %lt3A_188, %sub3A_187, %select_n3A_172 : vector<4096x128xi1>, vector<4096x128xf32>
    %mul3A_190 = arith.constant 1.000000e+00 : f32
    %mul3A_191 = arith.constant 9.000000e+00 : f32
    %mul3A_192 = arith.mulf %mul3A_190, %mul3A_191 : f32
    %broadcast_in_dim3A_193 = vector.broadcast %mul3A_192 : f32 to vector<4096x128xf32>
    %select_n3A_194 = arith.select %lt3A_188, %broadcast_in_dim3A_193, %select_n3A_177 : vector<4096x128xi1>, vector<4096x128xf32>
    %get3A_195 = arith.constant 1536 : index
    %get3A_196 = arith.constant 0 : index
    %get3A_197 = vector.load %arg1[%get3A_195, %get3A_196] : memref<8192x32xf32, #tpu.memory_space<vmem>>, vector<256x32xf32>
    %dot_general3A_198 = arith.constant dense<0.000000e+00> : vector<4096x256xf32>
    %dot_general3A_199 = tpu.matmul %mul3A_3, %get3A_197, %dot_general3A_198 {dimension_numbers = #tpu.dot_dimension_numbers<[1], [1], [0], [0], [0, 0, 1, 0], [], []>, transpose_lhs_hint = false} : vector<4096x32xf32>, vector<256x32xf32>, vector<4096x256xf32> -> vector<4096x256xf32>
    %get3A_200 = arith.constant 1 : index
    %get3A_201 = arith.constant 0 : index
    %get3A_202 = arith.constant 256 : index
    %get3A_203 = vector.load %arg3[%get3A_200, %get3A_201, %get3A_202] : memref<8x1x1024xf32, #tpu.memory_space<vmem>>, vector<1x1x128xf32>
    %get3A_204 = vector.shape_cast %get3A_203 : vector<1x1x128xf32> to vector<1x128xf32>
    %add3A_205 = vector.broadcast %get3A_6 : vector<4096x1xf32> to vector<4096x128xf32>
    %add3A_206 = vector.broadcast %get3A_204 : vector<1x128xf32> to vector<4096x128xf32>
    %add3A_207 = arith.addf %add3A_205, %add3A_206 : vector<4096x128xf32>
    %slice3A_208 = vector.extract_strided_slice %dot_general3A_160 {offsets = [0, 0], sizes = [4096, 128], strides = [1, 1]} : vector<4096x256xf32> to vector<4096x128xf32>
    %sub3A_209 = arith.subf %add3A_207, %slice3A_208 : vector<4096x128xf32>
    %lt3A_210 = arith.cmpf olt, %sub3A_209, %select_n3A_189 : vector<4096x128xf32>
    %select_n3A_211 = arith.select %lt3A_210, %sub3A_209, %select_n3A_189 : vector<4096x128xi1>, vector<4096x128xf32>
    %mul3A_212 = arith.constant 1.000000e+00 : f32
    %mul3A_213 = arith.constant 1.000000e+01 : f32
    %mul3A_214 = arith.mulf %mul3A_212, %mul3A_213 : f32
    %broadcast_in_dim3A_215 = vector.broadcast %mul3A_214 : f32 to vector<4096x128xf32>
    %select_n3A_216 = arith.select %lt3A_210, %broadcast_in_dim3A_215, %select_n3A_194 : vector<4096x128xi1>, vector<4096x128xf32>
    %get3A_217 = arith.constant 1 : index
    %get3A_218 = arith.constant 0 : index
    %get3A_219 = arith.constant 384 : index
    %get3A_220 = vector.load %arg3[%get3A_217, %get3A_218, %get3A_219] : memref<8x1x1024xf32, #tpu.memory_space<vmem>>, vector<1x1x128xf32>
    %get3A_221 = vector.shape_cast %get3A_220 : vector<1x1x128xf32> to vector<1x128xf32>
    %add3A_222 = vector.broadcast %get3A_6 : vector<4096x1xf32> to vector<4096x128xf32>
    %add3A_223 = vector.broadcast %get3A_221 : vector<1x128xf32> to vector<4096x128xf32>
    %add3A_224 = arith.addf %add3A_222, %add3A_223 : vector<4096x128xf32>
    %slice3A_225 = vector.extract_strided_slice %dot_general3A_160 {offsets = [0, 128], sizes = [4096, 128], strides = [1, 1]} : vector<4096x256xf32> to vector<4096x128xf32>
    %sub3A_226 = arith.subf %add3A_224, %slice3A_225 : vector<4096x128xf32>
    %lt3A_227 = arith.cmpf olt, %sub3A_226, %select_n3A_211 : vector<4096x128xf32>
    %select_n3A_228 = arith.select %lt3A_227, %sub3A_226, %select_n3A_211 : vector<4096x128xi1>, vector<4096x128xf32>
    %mul3A_229 = arith.constant 1.000000e+00 : f32
    %mul3A_230 = arith.constant 1.100000e+01 : f32
    %mul3A_231 = arith.mulf %mul3A_229, %mul3A_230 : f32
    %broadcast_in_dim3A_232 = vector.broadcast %mul3A_231 : f32 to vector<4096x128xf32>
    %select_n3A_233 = arith.select %lt3A_227, %broadcast_in_dim3A_232, %select_n3A_216 : vector<4096x128xi1>, vector<4096x128xf32>
    %get3A_234 = arith.constant 1792 : index
    %get3A_235 = arith.constant 0 : index
    %get3A_236 = vector.load %arg1[%get3A_234, %get3A_235] : memref<8192x32xf32, #tpu.memory_space<vmem>>, vector<256x32xf32>
    %dot_general3A_237 = arith.constant dense<0.000000e+00> : vector<4096x256xf32>
    %dot_general3A_238 = tpu.matmul %mul3A_3, %get3A_236, %dot_general3A_237 {dimension_numbers = #tpu.dot_dimension_numbers<[1], [1], [0], [0], [0, 0, 1, 0], [], []>, transpose_lhs_hint = false} : vector<4096x32xf32>, vector<256x32xf32>, vector<4096x256xf32> -> vector<4096x256xf32>
    %get3A_239 = arith.constant 1 : index
    %get3A_240 = arith.constant 0 : index
    %get3A_241 = arith.constant 512 : index
    %get3A_242 = vector.load %arg3[%get3A_239, %get3A_240, %get3A_241] : memref<8x1x1024xf32, #tpu.memory_space<vmem>>, vector<1x1x128xf32>
    %get3A_243 = vector.shape_cast %get3A_242 : vector<1x1x128xf32> to vector<1x128xf32>
    %add3A_244 = vector.broadcast %get3A_6 : vector<4096x1xf32> to vector<4096x128xf32>
    %add3A_245 = vector.broadcast %get3A_243 : vector<1x128xf32> to vector<4096x128xf32>
    %add3A_246 = arith.addf %add3A_244, %add3A_245 : vector<4096x128xf32>
    %slice3A_247 = vector.extract_strided_slice %dot_general3A_199 {offsets = [0, 0], sizes = [4096, 128], strides = [1, 1]} : vector<4096x256xf32> to vector<4096x128xf32>
    %sub3A_248 = arith.subf %add3A_246, %slice3A_247 : vector<4096x128xf32>
    %lt3A_249 = arith.cmpf olt, %sub3A_248, %select_n3A_228 : vector<4096x128xf32>
    %select_n3A_250 = arith.select %lt3A_249, %sub3A_248, %select_n3A_228 : vector<4096x128xi1>, vector<4096x128xf32>
    %mul3A_251 = arith.constant 1.000000e+00 : f32
    %mul3A_252 = arith.constant 1.200000e+01 : f32
    %mul3A_253 = arith.mulf %mul3A_251, %mul3A_252 : f32
    %broadcast_in_dim3A_254 = vector.broadcast %mul3A_253 : f32 to vector<4096x128xf32>
    %select_n3A_255 = arith.select %lt3A_249, %broadcast_in_dim3A_254, %select_n3A_233 : vector<4096x128xi1>, vector<4096x128xf32>
    %get3A_256 = arith.constant 1 : index
    %get3A_257 = arith.constant 0 : index
    %get3A_258 = arith.constant 640 : index
    %get3A_259 = vector.load %arg3[%get3A_256, %get3A_257, %get3A_258] : memref<8x1x1024xf32, #tpu.memory_space<vmem>>, vector<1x1x128xf32>
    %get3A_260 = vector.shape_cast %get3A_259 : vector<1x1x128xf32> to vector<1x128xf32>
    %add3A_261 = vector.broadcast %get3A_6 : vector<4096x1xf32> to vector<4096x128xf32>
    %add3A_262 = vector.broadcast %get3A_260 : vector<1x128xf32> to vector<4096x128xf32>
    %add3A_263 = arith.addf %add3A_261, %add3A_262 : vector<4096x128xf32>
    %slice3A_264 = vector.extract_strided_slice %dot_general3A_199 {offsets = [0, 128], sizes = [4096, 128], strides = [1, 1]} : vector<4096x256xf32> to vector<4096x128xf32>
    %sub3A_265 = arith.subf %add3A_263, %slice3A_264 : vector<4096x128xf32>
    %lt3A_266 = arith.cmpf olt, %sub3A_265, %select_n3A_250 : vector<4096x128xf32>
    %select_n3A_267 = arith.select %lt3A_266, %sub3A_265, %select_n3A_250 : vector<4096x128xi1>, vector<4096x128xf32>
    %mul3A_268 = arith.constant 1.000000e+00 : f32
    %mul3A_269 = arith.constant 1.300000e+01 : f32
    %mul3A_270 = arith.mulf %mul3A_268, %mul3A_269 : f32
    %broadcast_in_dim3A_271 = vector.broadcast %mul3A_270 : f32 to vector<4096x128xf32>
    %select_n3A_272 = arith.select %lt3A_266, %broadcast_in_dim3A_271, %select_n3A_255 : vector<4096x128xi1>, vector<4096x128xf32>
    %get3A_273 = arith.constant 2048 : index
    %get3A_274 = arith.constant 0 : index
    %get3A_275 = vector.load %arg1[%get3A_273, %get3A_274] : memref<8192x32xf32, #tpu.memory_space<vmem>>, vector<256x32xf32>
    %dot_general3A_276 = arith.constant dense<0.000000e+00> : vector<4096x256xf32>
    %dot_general3A_277 = tpu.matmul %mul3A_3, %get3A_275, %dot_general3A_276 {dimension_numbers = #tpu.dot_dimension_numbers<[1], [1], [0], [0], [0, 0, 1, 0], [], []>, transpose_lhs_hint = false} : vector<4096x32xf32>, vector<256x32xf32>, vector<4096x256xf32> -> vector<4096x256xf32>
    %get3A_278 = arith.constant 1 : index
    %get3A_279 = arith.constant 0 : index
    %get3A_280 = arith.constant 768 : index
    %get3A_281 = vector.load %arg3[%get3A_278, %get3A_279, %get3A_280] : memref<8x1x1024xf32, #tpu.memory_space<vmem>>, vector<1x1x128xf32>
    %get3A_282 = vector.shape_cast %get3A_281 : vector<1x1x128xf32> to vector<1x128xf32>
    %add3A_283 = vector.broadcast %get3A_6 : vector<4096x1xf32> to vector<4096x128xf32>
    %add3A_284 = vector.broadcast %get3A_282 : vector<1x128xf32> to vector<4096x128xf32>
    %add3A_285 = arith.addf %add3A_283, %add3A_284 : vector<4096x128xf32>
    %slice3A_286 = vector.extract_strided_slice %dot_general3A_238 {offsets = [0, 0], sizes = [4096, 128], strides = [1, 1]} : vector<4096x256xf32> to vector<4096x128xf32>
    %sub3A_287 = arith.subf %add3A_285, %slice3A_286 : vector<4096x128xf32>
    %lt3A_288 = arith.cmpf olt, %sub3A_287, %select_n3A_267 : vector<4096x128xf32>
    %select_n3A_289 = arith.select %lt3A_288, %sub3A_287, %select_n3A_267 : vector<4096x128xi1>, vector<4096x128xf32>
    %mul3A_290 = arith.constant 1.000000e+00 : f32
    %mul3A_291 = arith.constant 1.400000e+01 : f32
    %mul3A_292 = arith.mulf %mul3A_290, %mul3A_291 : f32
    %broadcast_in_dim3A_293 = vector.broadcast %mul3A_292 : f32 to vector<4096x128xf32>
    %select_n3A_294 = arith.select %lt3A_288, %broadcast_in_dim3A_293, %select_n3A_272 : vector<4096x128xi1>, vector<4096x128xf32>
    %get3A_295 = arith.constant 1 : index
    %get3A_296 = arith.constant 0 : index
    %get3A_297 = arith.constant 896 : index
    %get3A_298 = vector.load %arg3[%get3A_295, %get3A_296, %get3A_297] : memref<8x1x1024xf32, #tpu.memory_space<vmem>>, vector<1x1x128xf32>
    %get3A_299 = vector.shape_cast %get3A_298 : vector<1x1x128xf32> to vector<1x128xf32>
    %add3A_300 = vector.broadcast %get3A_6 : vector<4096x1xf32> to vector<4096x128xf32>
    %add3A_301 = vector.broadcast %get3A_299 : vector<1x128xf32> to vector<4096x128xf32>
    %add3A_302 = arith.addf %add3A_300, %add3A_301 : vector<4096x128xf32>
    %slice3A_303 = vector.extract_strided_slice %dot_general3A_238 {offsets = [0, 128], sizes = [4096, 128], strides = [1, 1]} : vector<4096x256xf32> to vector<4096x128xf32>
    %sub3A_304 = arith.subf %add3A_302, %slice3A_303 : vector<4096x128xf32>
    %lt3A_305 = arith.cmpf olt, %sub3A_304, %select_n3A_289 : vector<4096x128xf32>
    %select_n3A_306 = arith.select %lt3A_305, %sub3A_304, %select_n3A_289 : vector<4096x128xi1>, vector<4096x128xf32>
    %mul3A_307 = arith.constant 1.000000e+00 : f32
    %mul3A_308 = arith.constant 1.500000e+01 : f32
    %mul3A_309 = arith.mulf %mul3A_307, %mul3A_308 : f32
    %broadcast_in_dim3A_310 = vector.broadcast %mul3A_309 : f32 to vector<4096x128xf32>
    %select_n3A_311 = arith.select %lt3A_305, %broadcast_in_dim3A_310, %select_n3A_294 : vector<4096x128xi1>, vector<4096x128xf32>
    %get3A_312 = arith.constant 2304 : index
    %get3A_313 = arith.constant 0 : index
    %get3A_314 = vector.load %arg1[%get3A_312, %get3A_313] : memref<8192x32xf32, #tpu.memory_space<vmem>>, vector<256x32xf32>
    %dot_general3A_315 = arith.constant dense<0.000000e+00> : vector<4096x256xf32>
    %dot_general3A_316 = tpu.matmul %mul3A_3, %get3A_314, %dot_general3A_315 {dimension_numbers = #tpu.dot_dimension_numbers<[1], [1], [0], [0], [0, 0, 1, 0], [], []>, transpose_lhs_hint = false} : vector<4096x32xf32>, vector<256x32xf32>, vector<4096x256xf32> -> vector<4096x256xf32>
    %get3A_317 = arith.constant 2 : index
    %get3A_318 = arith.constant 0 : index
    %get3A_319 = arith.constant 0 : index
    %get3A_320 = vector.load %arg3[%get3A_317, %get3A_318, %get3A_319] : memref<8x1x1024xf32, #tpu.memory_space<vmem>>, vector<1x1x128xf32>
    %get3A_321 = vector.shape_cast %get3A_320 : vector<1x1x128xf32> to vector<1x128xf32>
    %add3A_322 = vector.broadcast %get3A_6 : vector<4096x1xf32> to vector<4096x128xf32>
    %add3A_323 = vector.broadcast %get3A_321 : vector<1x128xf32> to vector<4096x128xf32>
    %add3A_324 = arith.addf %add3A_322, %add3A_323 : vector<4096x128xf32>
    %slice3A_325 = vector.extract_strided_slice %dot_general3A_277 {offsets = [0, 0], sizes = [4096, 128], strides = [1, 1]} : vector<4096x256xf32> to vector<4096x128xf32>
    %sub3A_326 = arith.subf %add3A_324, %slice3A_325 : vector<4096x128xf32>
    %lt3A_327 = arith.cmpf olt, %sub3A_326, %select_n3A_306 : vector<4096x128xf32>
    %select_n3A_328 = arith.select %lt3A_327, %sub3A_326, %select_n3A_306 : vector<4096x128xi1>, vector<4096x128xf32>
    %mul3A_329 = arith.constant 1.000000e+00 : f32
    %mul3A_330 = arith.constant 1.600000e+01 : f32
    %mul3A_331 = arith.mulf %mul3A_329, %mul3A_330 : f32
    %broadcast_in_dim3A_332 = vector.broadcast %mul3A_331 : f32 to vector<4096x128xf32>
    %select_n3A_333 = arith.select %lt3A_327, %broadcast_in_dim3A_332, %select_n3A_311 : vector<4096x128xi1>, vector<4096x128xf32>
    %get3A_334 = arith.constant 2 : index
    %get3A_335 = arith.constant 0 : index
    %get3A_336 = arith.constant 128 : index
    %get3A_337 = vector.load %arg3[%get3A_334, %get3A_335, %get3A_336] : memref<8x1x1024xf32, #tpu.memory_space<vmem>>, vector<1x1x128xf32>
    %get3A_338 = vector.shape_cast %get3A_337 : vector<1x1x128xf32> to vector<1x128xf32>
    %add3A_339 = vector.broadcast %get3A_6 : vector<4096x1xf32> to vector<4096x128xf32>
    %add3A_340 = vector.broadcast %get3A_338 : vector<1x128xf32> to vector<4096x128xf32>
    %add3A_341 = arith.addf %add3A_339, %add3A_340 : vector<4096x128xf32>
    %slice3A_342 = vector.extract_strided_slice %dot_general3A_277 {offsets = [0, 128], sizes = [4096, 128], strides = [1, 1]} : vector<4096x256xf32> to vector<4096x128xf32>
    %sub3A_343 = arith.subf %add3A_341, %slice3A_342 : vector<4096x128xf32>
    %lt3A_344 = arith.cmpf olt, %sub3A_343, %select_n3A_328 : vector<4096x128xf32>
    %select_n3A_345 = arith.select %lt3A_344, %sub3A_343, %select_n3A_328 : vector<4096x128xi1>, vector<4096x128xf32>
    %mul3A_346 = arith.constant 1.000000e+00 : f32
    %mul3A_347 = arith.constant 1.700000e+01 : f32
    %mul3A_348 = arith.mulf %mul3A_346, %mul3A_347 : f32
    %broadcast_in_dim3A_349 = vector.broadcast %mul3A_348 : f32 to vector<4096x128xf32>
    %select_n3A_350 = arith.select %lt3A_344, %broadcast_in_dim3A_349, %select_n3A_333 : vector<4096x128xi1>, vector<4096x128xf32>
    %get3A_351 = arith.constant 2560 : index
    %get3A_352 = arith.constant 0 : index
    %get3A_353 = vector.load %arg1[%get3A_351, %get3A_352] : memref<8192x32xf32, #tpu.memory_space<vmem>>, vector<256x32xf32>
    %dot_general3A_354 = arith.constant dense<0.000000e+00> : vector<4096x256xf32>
    %dot_general3A_355 = tpu.matmul %mul3A_3, %get3A_353, %dot_general3A_354 {dimension_numbers = #tpu.dot_dimension_numbers<[1], [1], [0], [0], [0, 0, 1, 0], [], []>, transpose_lhs_hint = false} : vector<4096x32xf32>, vector<256x32xf32>, vector<4096x256xf32> -> vector<4096x256xf32>
    %get3A_356 = arith.constant 2 : index
    %get3A_357 = arith.constant 0 : index
    %get3A_358 = arith.constant 256 : index
    %get3A_359 = vector.load %arg3[%get3A_356, %get3A_357, %get3A_358] : memref<8x1x1024xf32, #tpu.memory_space<vmem>>, vector<1x1x128xf32>
    %get3A_360 = vector.shape_cast %get3A_359 : vector<1x1x128xf32> to vector<1x128xf32>
    %add3A_361 = vector.broadcast %get3A_6 : vector<4096x1xf32> to vector<4096x128xf32>
    %add3A_362 = vector.broadcast %get3A_360 : vector<1x128xf32> to vector<4096x128xf32>
    %add3A_363 = arith.addf %add3A_361, %add3A_362 : vector<4096x128xf32>
    %slice3A_364 = vector.extract_strided_slice %dot_general3A_316 {offsets = [0, 0], sizes = [4096, 128], strides = [1, 1]} : vector<4096x256xf32> to vector<4096x128xf32>
    %sub3A_365 = arith.subf %add3A_363, %slice3A_364 : vector<4096x128xf32>
    %lt3A_366 = arith.cmpf olt, %sub3A_365, %select_n3A_345 : vector<4096x128xf32>
    %select_n3A_367 = arith.select %lt3A_366, %sub3A_365, %select_n3A_345 : vector<4096x128xi1>, vector<4096x128xf32>
    %mul3A_368 = arith.constant 1.000000e+00 : f32
    %mul3A_369 = arith.constant 1.800000e+01 : f32
    %mul3A_370 = arith.mulf %mul3A_368, %mul3A_369 : f32
    %broadcast_in_dim3A_371 = vector.broadcast %mul3A_370 : f32 to vector<4096x128xf32>
    %select_n3A_372 = arith.select %lt3A_366, %broadcast_in_dim3A_371, %select_n3A_350 : vector<4096x128xi1>, vector<4096x128xf32>
    %get3A_373 = arith.constant 2 : index
    %get3A_374 = arith.constant 0 : index
    %get3A_375 = arith.constant 384 : index
    %get3A_376 = vector.load %arg3[%get3A_373, %get3A_374, %get3A_375] : memref<8x1x1024xf32, #tpu.memory_space<vmem>>, vector<1x1x128xf32>
    %get3A_377 = vector.shape_cast %get3A_376 : vector<1x1x128xf32> to vector<1x128xf32>
    %add3A_378 = vector.broadcast %get3A_6 : vector<4096x1xf32> to vector<4096x128xf32>
    %add3A_379 = vector.broadcast %get3A_377 : vector<1x128xf32> to vector<4096x128xf32>
    %add3A_380 = arith.addf %add3A_378, %add3A_379 : vector<4096x128xf32>
    %slice3A_381 = vector.extract_strided_slice %dot_general3A_316 {offsets = [0, 128], sizes = [4096, 128], strides = [1, 1]} : vector<4096x256xf32> to vector<4096x128xf32>
    %sub3A_382 = arith.subf %add3A_380, %slice3A_381 : vector<4096x128xf32>
    %lt3A_383 = arith.cmpf olt, %sub3A_382, %select_n3A_367 : vector<4096x128xf32>
    %select_n3A_384 = arith.select %lt3A_383, %sub3A_382, %select_n3A_367 : vector<4096x128xi1>, vector<4096x128xf32>
    %mul3A_385 = arith.constant 1.000000e+00 : f32
    %mul3A_386 = arith.constant 1.900000e+01 : f32
    %mul3A_387 = arith.mulf %mul3A_385, %mul3A_386 : f32
    %broadcast_in_dim3A_388 = vector.broadcast %mul3A_387 : f32 to vector<4096x128xf32>
    %select_n3A_389 = arith.select %lt3A_383, %broadcast_in_dim3A_388, %select_n3A_372 : vector<4096x128xi1>, vector<4096x128xf32>
    %get3A_390 = arith.constant 2816 : index
    %get3A_391 = arith.constant 0 : index
    %get3A_392 = vector.load %arg1[%get3A_390, %get3A_391] : memref<8192x32xf32, #tpu.memory_space<vmem>>, vector<256x32xf32>
    %dot_general3A_393 = arith.constant dense<0.000000e+00> : vector<4096x256xf32>
    %dot_general3A_394 = tpu.matmul %mul3A_3, %get3A_392, %dot_general3A_393 {dimension_numbers = #tpu.dot_dimension_numbers<[1], [1], [0], [0], [0, 0, 1, 0], [], []>, transpose_lhs_hint = false} : vector<4096x32xf32>, vector<256x32xf32>, vector<4096x256xf32> -> vector<4096x256xf32>
    %get3A_395 = arith.constant 2 : index
    %get3A_396 = arith.constant 0 : index
    %get3A_397 = arith.constant 512 : index
    %get3A_398 = vector.load %arg3[%get3A_395, %get3A_396, %get3A_397] : memref<8x1x1024xf32, #tpu.memory_space<vmem>>, vector<1x1x128xf32>
    %get3A_399 = vector.shape_cast %get3A_398 : vector<1x1x128xf32> to vector<1x128xf32>
    %add3A_400 = vector.broadcast %get3A_6 : vector<4096x1xf32> to vector<4096x128xf32>
    %add3A_401 = vector.broadcast %get3A_399 : vector<1x128xf32> to vector<4096x128xf32>
    %add3A_402 = arith.addf %add3A_400, %add3A_401 : vector<4096x128xf32>
    %slice3A_403 = vector.extract_strided_slice %dot_general3A_355 {offsets = [0, 0], sizes = [4096, 128], strides = [1, 1]} : vector<4096x256xf32> to vector<4096x128xf32>
    %sub3A_404 = arith.subf %add3A_402, %slice3A_403 : vector<4096x128xf32>
    %lt3A_405 = arith.cmpf olt, %sub3A_404, %select_n3A_384 : vector<4096x128xf32>
    %select_n3A_406 = arith.select %lt3A_405, %sub3A_404, %select_n3A_384 : vector<4096x128xi1>, vector<4096x128xf32>
    %mul3A_407 = arith.constant 1.000000e+00 : f32
    %mul3A_408 = arith.constant 2.000000e+01 : f32
    %mul3A_409 = arith.mulf %mul3A_407, %mul3A_408 : f32
    %broadcast_in_dim3A_410 = vector.broadcast %mul3A_409 : f32 to vector<4096x128xf32>
    %select_n3A_411 = arith.select %lt3A_405, %broadcast_in_dim3A_410, %select_n3A_389 : vector<4096x128xi1>, vector<4096x128xf32>
    %get3A_412 = arith.constant 2 : index
    %get3A_413 = arith.constant 0 : index
    %get3A_414 = arith.constant 640 : index
    %get3A_415 = vector.load %arg3[%get3A_412, %get3A_413, %get3A_414] : memref<8x1x1024xf32, #tpu.memory_space<vmem>>, vector<1x1x128xf32>
    %get3A_416 = vector.shape_cast %get3A_415 : vector<1x1x128xf32> to vector<1x128xf32>
    %add3A_417 = vector.broadcast %get3A_6 : vector<4096x1xf32> to vector<4096x128xf32>
    %add3A_418 = vector.broadcast %get3A_416 : vector<1x128xf32> to vector<4096x128xf32>
    %add3A_419 = arith.addf %add3A_417, %add3A_418 : vector<4096x128xf32>
    %slice3A_420 = vector.extract_strided_slice %dot_general3A_355 {offsets = [0, 128], sizes = [4096, 128], strides = [1, 1]} : vector<4096x256xf32> to vector<4096x128xf32>
    %sub3A_421 = arith.subf %add3A_419, %slice3A_420 : vector<4096x128xf32>
    %lt3A_422 = arith.cmpf olt, %sub3A_421, %select_n3A_406 : vector<4096x128xf32>
    %select_n3A_423 = arith.select %lt3A_422, %sub3A_421, %select_n3A_406 : vector<4096x128xi1>, vector<4096x128xf32>
    %mul3A_424 = arith.constant 1.000000e+00 : f32
    %mul3A_425 = arith.constant 2.100000e+01 : f32
    %mul3A_426 = arith.mulf %mul3A_424, %mul3A_425 : f32
    %broadcast_in_dim3A_427 = vector.broadcast %mul3A_426 : f32 to vector<4096x128xf32>
    %select_n3A_428 = arith.select %lt3A_422, %broadcast_in_dim3A_427, %select_n3A_411 : vector<4096x128xi1>, vector<4096x128xf32>
    %get3A_429 = arith.constant 3072 : index
    %get3A_430 = arith.constant 0 : index
    %get3A_431 = vector.load %arg1[%get3A_429, %get3A_430] : memref<8192x32xf32, #tpu.memory_space<vmem>>, vector<256x32xf32>
    %dot_general3A_432 = arith.constant dense<0.000000e+00> : vector<4096x256xf32>
    %dot_general3A_433 = tpu.matmul %mul3A_3, %get3A_431, %dot_general3A_432 {dimension_numbers = #tpu.dot_dimension_numbers<[1], [1], [0], [0], [0, 0, 1, 0], [], []>, transpose_lhs_hint = false} : vector<4096x32xf32>, vector<256x32xf32>, vector<4096x256xf32> -> vector<4096x256xf32>
    %get3A_434 = arith.constant 2 : index
    %get3A_435 = arith.constant 0 : index
    %get3A_436 = arith.constant 768 : index
    %get3A_437 = vector.load %arg3[%get3A_434, %get3A_435, %get3A_436] : memref<8x1x1024xf32, #tpu.memory_space<vmem>>, vector<1x1x128xf32>
    %get3A_438 = vector.shape_cast %get3A_437 : vector<1x1x128xf32> to vector<1x128xf32>
    %add3A_439 = vector.broadcast %get3A_6 : vector<4096x1xf32> to vector<4096x128xf32>
    %add3A_440 = vector.broadcast %get3A_438 : vector<1x128xf32> to vector<4096x128xf32>
    %add3A_441 = arith.addf %add3A_439, %add3A_440 : vector<4096x128xf32>
    %slice3A_442 = vector.extract_strided_slice %dot_general3A_394 {offsets = [0, 0], sizes = [4096, 128], strides = [1, 1]} : vector<4096x256xf32> to vector<4096x128xf32>
    %sub3A_443 = arith.subf %add3A_441, %slice3A_442 : vector<4096x128xf32>
    %lt3A_444 = arith.cmpf olt, %sub3A_443, %select_n3A_423 : vector<4096x128xf32>
    %select_n3A_445 = arith.select %lt3A_444, %sub3A_443, %select_n3A_423 : vector<4096x128xi1>, vector<4096x128xf32>
    %mul3A_446 = arith.constant 1.000000e+00 : f32
    %mul3A_447 = arith.constant 2.200000e+01 : f32
    %mul3A_448 = arith.mulf %mul3A_446, %mul3A_447 : f32
    %broadcast_in_dim3A_449 = vector.broadcast %mul3A_448 : f32 to vector<4096x128xf32>
    %select_n3A_450 = arith.select %lt3A_444, %broadcast_in_dim3A_449, %select_n3A_428 : vector<4096x128xi1>, vector<4096x128xf32>
    %get3A_451 = arith.constant 2 : index
    %get3A_452 = arith.constant 0 : index
    %get3A_453 = arith.constant 896 : index
    %get3A_454 = vector.load %arg3[%get3A_451, %get3A_452, %get3A_453] : memref<8x1x1024xf32, #tpu.memory_space<vmem>>, vector<1x1x128xf32>
    %get3A_455 = vector.shape_cast %get3A_454 : vector<1x1x128xf32> to vector<1x128xf32>
    %add3A_456 = vector.broadcast %get3A_6 : vector<4096x1xf32> to vector<4096x128xf32>
    %add3A_457 = vector.broadcast %get3A_455 : vector<1x128xf32> to vector<4096x128xf32>
    %add3A_458 = arith.addf %add3A_456, %add3A_457 : vector<4096x128xf32>
    %slice3A_459 = vector.extract_strided_slice %dot_general3A_394 {offsets = [0, 128], sizes = [4096, 128], strides = [1, 1]} : vector<4096x256xf32> to vector<4096x128xf32>
    %sub3A_460 = arith.subf %add3A_458, %slice3A_459 : vector<4096x128xf32>
    %lt3A_461 = arith.cmpf olt, %sub3A_460, %select_n3A_445 : vector<4096x128xf32>
    %select_n3A_462 = arith.select %lt3A_461, %sub3A_460, %select_n3A_445 : vector<4096x128xi1>, vector<4096x128xf32>
    %mul3A_463 = arith.constant 1.000000e+00 : f32
    %mul3A_464 = arith.constant 2.300000e+01 : f32
    %mul3A_465 = arith.mulf %mul3A_463, %mul3A_464 : f32
    %broadcast_in_dim3A_466 = vector.broadcast %mul3A_465 : f32 to vector<4096x128xf32>
    %select_n3A_467 = arith.select %lt3A_461, %broadcast_in_dim3A_466, %select_n3A_450 : vector<4096x128xi1>, vector<4096x128xf32>
    %get3A_468 = arith.constant 3328 : index
    %get3A_469 = arith.constant 0 : index
    %get3A_470 = vector.load %arg1[%get3A_468, %get3A_469] : memref<8192x32xf32, #tpu.memory_space<vmem>>, vector<256x32xf32>
    %dot_general3A_471 = arith.constant dense<0.000000e+00> : vector<4096x256xf32>
    %dot_general3A_472 = tpu.matmul %mul3A_3, %get3A_470, %dot_general3A_471 {dimension_numbers = #tpu.dot_dimension_numbers<[1], [1], [0], [0], [0, 0, 1, 0], [], []>, transpose_lhs_hint = false} : vector<4096x32xf32>, vector<256x32xf32>, vector<4096x256xf32> -> vector<4096x256xf32>
    %get3A_473 = arith.constant 3 : index
    %get3A_474 = arith.constant 0 : index
    %get3A_475 = arith.constant 0 : index
    %get3A_476 = vector.load %arg3[%get3A_473, %get3A_474, %get3A_475] : memref<8x1x1024xf32, #tpu.memory_space<vmem>>, vector<1x1x128xf32>
    %get3A_477 = vector.shape_cast %get3A_476 : vector<1x1x128xf32> to vector<1x128xf32>
    %add3A_478 = vector.broadcast %get3A_6 : vector<4096x1xf32> to vector<4096x128xf32>
    %add3A_479 = vector.broadcast %get3A_477 : vector<1x128xf32> to vector<4096x128xf32>
    %add3A_480 = arith.addf %add3A_478, %add3A_479 : vector<4096x128xf32>
    %slice3A_481 = vector.extract_strided_slice %dot_general3A_433 {offsets = [0, 0], sizes = [4096, 128], strides = [1, 1]} : vector<4096x256xf32> to vector<4096x128xf32>
    %sub3A_482 = arith.subf %add3A_480, %slice3A_481 : vector<4096x128xf32>
    %lt3A_483 = arith.cmpf olt, %sub3A_482, %select_n3A_462 : vector<4096x128xf32>
    %select_n3A_484 = arith.select %lt3A_483, %sub3A_482, %select_n3A_462 : vector<4096x128xi1>, vector<4096x128xf32>
    %mul3A_485 = arith.constant 1.000000e+00 : f32
    %mul3A_486 = arith.constant 2.400000e+01 : f32
    %mul3A_487 = arith.mulf %mul3A_485, %mul3A_486 : f32
    %broadcast_in_dim3A_488 = vector.broadcast %mul3A_487 : f32 to vector<4096x128xf32>
    %select_n3A_489 = arith.select %lt3A_483, %broadcast_in_dim3A_488, %select_n3A_467 : vector<4096x128xi1>, vector<4096x128xf32>
    %get3A_490 = arith.constant 3 : index
    %get3A_491 = arith.constant 0 : index
    %get3A_492 = arith.constant 128 : index
    %get3A_493 = vector.load %arg3[%get3A_490, %get3A_491, %get3A_492] : memref<8x1x1024xf32, #tpu.memory_space<vmem>>, vector<1x1x128xf32>
    %get3A_494 = vector.shape_cast %get3A_493 : vector<1x1x128xf32> to vector<1x128xf32>
    %add3A_495 = vector.broadcast %get3A_6 : vector<4096x1xf32> to vector<4096x128xf32>
    %add3A_496 = vector.broadcast %get3A_494 : vector<1x128xf32> to vector<4096x128xf32>
    %add3A_497 = arith.addf %add3A_495, %add3A_496 : vector<4096x128xf32>
    %slice3A_498 = vector.extract_strided_slice %dot_general3A_433 {offsets = [0, 128], sizes = [4096, 128], strides = [1, 1]} : vector<4096x256xf32> to vector<4096x128xf32>
    %sub3A_499 = arith.subf %add3A_497, %slice3A_498 : vector<4096x128xf32>
    %lt3A_500 = arith.cmpf olt, %sub3A_499, %select_n3A_484 : vector<4096x128xf32>
    %select_n3A_501 = arith.select %lt3A_500, %sub3A_499, %select_n3A_484 : vector<4096x128xi1>, vector<4096x128xf32>
    %mul3A_502 = arith.constant 1.000000e+00 : f32
    %mul3A_503 = arith.constant 2.500000e+01 : f32
    %mul3A_504 = arith.mulf %mul3A_502, %mul3A_503 : f32
    %broadcast_in_dim3A_505 = vector.broadcast %mul3A_504 : f32 to vector<4096x128xf32>
    %select_n3A_506 = arith.select %lt3A_500, %broadcast_in_dim3A_505, %select_n3A_489 : vector<4096x128xi1>, vector<4096x128xf32>
    %get3A_507 = arith.constant 3584 : index
    %get3A_508 = arith.constant 0 : index
    %get3A_509 = vector.load %arg1[%get3A_507, %get3A_508] : memref<8192x32xf32, #tpu.memory_space<vmem>>, vector<256x32xf32>
    %dot_general3A_510 = arith.constant dense<0.000000e+00> : vector<4096x256xf32>
    %dot_general3A_511 = tpu.matmul %mul3A_3, %get3A_509, %dot_general3A_510 {dimension_numbers = #tpu.dot_dimension_numbers<[1], [1], [0], [0], [0, 0, 1, 0], [], []>, transpose_lhs_hint = false} : vector<4096x32xf32>, vector<256x32xf32>, vector<4096x256xf32> -> vector<4096x256xf32>
    %get3A_512 = arith.constant 3 : index
    %get3A_513 = arith.constant 0 : index
    %get3A_514 = arith.constant 256 : index
    %get3A_515 = vector.load %arg3[%get3A_512, %get3A_513, %get3A_514] : memref<8x1x1024xf32, #tpu.memory_space<vmem>>, vector<1x1x128xf32>
    %get3A_516 = vector.shape_cast %get3A_515 : vector<1x1x128xf32> to vector<1x128xf32>
    %add3A_517 = vector.broadcast %get3A_6 : vector<4096x1xf32> to vector<4096x128xf32>
    %add3A_518 = vector.broadcast %get3A_516 : vector<1x128xf32> to vector<4096x128xf32>
    %add3A_519 = arith.addf %add3A_517, %add3A_518 : vector<4096x128xf32>
    %slice3A_520 = vector.extract_strided_slice %dot_general3A_472 {offsets = [0, 0], sizes = [4096, 128], strides = [1, 1]} : vector<4096x256xf32> to vector<4096x128xf32>
    %sub3A_521 = arith.subf %add3A_519, %slice3A_520 : vector<4096x128xf32>
    %lt3A_522 = arith.cmpf olt, %sub3A_521, %select_n3A_501 : vector<4096x128xf32>
    %select_n3A_523 = arith.select %lt3A_522, %sub3A_521, %select_n3A_501 : vector<4096x128xi1>, vector<4096x128xf32>
    %mul3A_524 = arith.constant 1.000000e+00 : f32
    %mul3A_525 = arith.constant 2.600000e+01 : f32
    %mul3A_526 = arith.mulf %mul3A_524, %mul3A_525 : f32
    %broadcast_in_dim3A_527 = vector.broadcast %mul3A_526 : f32 to vector<4096x128xf32>
    %select_n3A_528 = arith.select %lt3A_522, %broadcast_in_dim3A_527, %select_n3A_506 : vector<4096x128xi1>, vector<4096x128xf32>
    %get3A_529 = arith.constant 3 : index
    %get3A_530 = arith.constant 0 : index
    %get3A_531 = arith.constant 384 : index
    %get3A_532 = vector.load %arg3[%get3A_529, %get3A_530, %get3A_531] : memref<8x1x1024xf32, #tpu.memory_space<vmem>>, vector<1x1x128xf32>
    %get3A_533 = vector.shape_cast %get3A_532 : vector<1x1x128xf32> to vector<1x128xf32>
    %add3A_534 = vector.broadcast %get3A_6 : vector<4096x1xf32> to vector<4096x128xf32>
    %add3A_535 = vector.broadcast %get3A_533 : vector<1x128xf32> to vector<4096x128xf32>
    %add3A_536 = arith.addf %add3A_534, %add3A_535 : vector<4096x128xf32>
    %slice3A_537 = vector.extract_strided_slice %dot_general3A_472 {offsets = [0, 128], sizes = [4096, 128], strides = [1, 1]} : vector<4096x256xf32> to vector<4096x128xf32>
    %sub3A_538 = arith.subf %add3A_536, %slice3A_537 : vector<4096x128xf32>
    %lt3A_539 = arith.cmpf olt, %sub3A_538, %select_n3A_523 : vector<4096x128xf32>
    %select_n3A_540 = arith.select %lt3A_539, %sub3A_538, %select_n3A_523 : vector<4096x128xi1>, vector<4096x128xf32>
    %mul3A_541 = arith.constant 1.000000e+00 : f32
    %mul3A_542 = arith.constant 2.700000e+01 : f32
    %mul3A_543 = arith.mulf %mul3A_541, %mul3A_542 : f32
    %broadcast_in_dim3A_544 = vector.broadcast %mul3A_543 : f32 to vector<4096x128xf32>
    %select_n3A_545 = arith.select %lt3A_539, %broadcast_in_dim3A_544, %select_n3A_528 : vector<4096x128xi1>, vector<4096x128xf32>
    %get3A_546 = arith.constant 3840 : index
    %get3A_547 = arith.constant 0 : index
    %get3A_548 = vector.load %arg1[%get3A_546, %get3A_547] : memref<8192x32xf32, #tpu.memory_space<vmem>>, vector<256x32xf32>
    %dot_general3A_549 = arith.constant dense<0.000000e+00> : vector<4096x256xf32>
    %dot_general3A_550 = tpu.matmul %mul3A_3, %get3A_548, %dot_general3A_549 {dimension_numbers = #tpu.dot_dimension_numbers<[1], [1], [0], [0], [0, 0, 1, 0], [], []>, transpose_lhs_hint = false} : vector<4096x32xf32>, vector<256x32xf32>, vector<4096x256xf32> -> vector<4096x256xf32>
    %get3A_551 = arith.constant 3 : index
    %get3A_552 = arith.constant 0 : index
    %get3A_553 = arith.constant 512 : index
    %get3A_554 = vector.load %arg3[%get3A_551, %get3A_552, %get3A_553] : memref<8x1x1024xf32, #tpu.memory_space<vmem>>, vector<1x1x128xf32>
    %get3A_555 = vector.shape_cast %get3A_554 : vector<1x1x128xf32> to vector<1x128xf32>
    %add3A_556 = vector.broadcast %get3A_6 : vector<4096x1xf32> to vector<4096x128xf32>
    %add3A_557 = vector.broadcast %get3A_555 : vector<1x128xf32> to vector<4096x128xf32>
    %add3A_558 = arith.addf %add3A_556, %add3A_557 : vector<4096x128xf32>
    %slice3A_559 = vector.extract_strided_slice %dot_general3A_511 {offsets = [0, 0], sizes = [4096, 128], strides = [1, 1]} : vector<4096x256xf32> to vector<4096x128xf32>
    %sub3A_560 = arith.subf %add3A_558, %slice3A_559 : vector<4096x128xf32>
    %lt3A_561 = arith.cmpf olt, %sub3A_560, %select_n3A_540 : vector<4096x128xf32>
    %select_n3A_562 = arith.select %lt3A_561, %sub3A_560, %select_n3A_540 : vector<4096x128xi1>, vector<4096x128xf32>
    %mul3A_563 = arith.constant 1.000000e+00 : f32
    %mul3A_564 = arith.constant 2.800000e+01 : f32
    %mul3A_565 = arith.mulf %mul3A_563, %mul3A_564 : f32
    %broadcast_in_dim3A_566 = vector.broadcast %mul3A_565 : f32 to vector<4096x128xf32>
    %select_n3A_567 = arith.select %lt3A_561, %broadcast_in_dim3A_566, %select_n3A_545 : vector<4096x128xi1>, vector<4096x128xf32>
    %get3A_568 = arith.constant 3 : index
    %get3A_569 = arith.constant 0 : index
    %get3A_570 = arith.constant 640 : index
    %get3A_571 = vector.load %arg3[%get3A_568, %get3A_569, %get3A_570] : memref<8x1x1024xf32, #tpu.memory_space<vmem>>, vector<1x1x128xf32>
    %get3A_572 = vector.shape_cast %get3A_571 : vector<1x1x128xf32> to vector<1x128xf32>
    %add3A_573 = vector.broadcast %get3A_6 : vector<4096x1xf32> to vector<4096x128xf32>
    %add3A_574 = vector.broadcast %get3A_572 : vector<1x128xf32> to vector<4096x128xf32>
    %add3A_575 = arith.addf %add3A_573, %add3A_574 : vector<4096x128xf32>
    %slice3A_576 = vector.extract_strided_slice %dot_general3A_511 {offsets = [0, 128], sizes = [4096, 128], strides = [1, 1]} : vector<4096x256xf32> to vector<4096x128xf32>
    %sub3A_577 = arith.subf %add3A_575, %slice3A_576 : vector<4096x128xf32>
    %lt3A_578 = arith.cmpf olt, %sub3A_577, %select_n3A_562 : vector<4096x128xf32>
    %select_n3A_579 = arith.select %lt3A_578, %sub3A_577, %select_n3A_562 : vector<4096x128xi1>, vector<4096x128xf32>
    %mul3A_580 = arith.constant 1.000000e+00 : f32
    %mul3A_581 = arith.constant 2.900000e+01 : f32
    %mul3A_582 = arith.mulf %mul3A_580, %mul3A_581 : f32
    %broadcast_in_dim3A_583 = vector.broadcast %mul3A_582 : f32 to vector<4096x128xf32>
    %select_n3A_584 = arith.select %lt3A_578, %broadcast_in_dim3A_583, %select_n3A_567 : vector<4096x128xi1>, vector<4096x128xf32>
    %get3A_585 = arith.constant 4096 : index
    %get3A_586 = arith.constant 0 : index
    %get3A_587 = vector.load %arg1[%get3A_585, %get3A_586] : memref<8192x32xf32, #tpu.memory_space<vmem>>, vector<256x32xf32>
    %dot_general3A_588 = arith.constant dense<0.000000e+00> : vector<4096x256xf32>
    %dot_general3A_589 = tpu.matmul %mul3A_3, %get3A_587, %dot_general3A_588 {dimension_numbers = #tpu.dot_dimension_numbers<[1], [1], [0], [0], [0, 0, 1, 0], [], []>, transpose_lhs_hint = false} : vector<4096x32xf32>, vector<256x32xf32>, vector<4096x256xf32> -> vector<4096x256xf32>
    %get3A_590 = arith.constant 3 : index
    %get3A_591 = arith.constant 0 : index
    %get3A_592 = arith.constant 768 : index
    %get3A_593 = vector.load %arg3[%get3A_590, %get3A_591, %get3A_592] : memref<8x1x1024xf32, #tpu.memory_space<vmem>>, vector<1x1x128xf32>
    %get3A_594 = vector.shape_cast %get3A_593 : vector<1x1x128xf32> to vector<1x128xf32>
    %add3A_595 = vector.broadcast %get3A_6 : vector<4096x1xf32> to vector<4096x128xf32>
    %add3A_596 = vector.broadcast %get3A_594 : vector<1x128xf32> to vector<4096x128xf32>
    %add3A_597 = arith.addf %add3A_595, %add3A_596 : vector<4096x128xf32>
    %slice3A_598 = vector.extract_strided_slice %dot_general3A_550 {offsets = [0, 0], sizes = [4096, 128], strides = [1, 1]} : vector<4096x256xf32> to vector<4096x128xf32>
    %sub3A_599 = arith.subf %add3A_597, %slice3A_598 : vector<4096x128xf32>
    %lt3A_600 = arith.cmpf olt, %sub3A_599, %select_n3A_579 : vector<4096x128xf32>
    %select_n3A_601 = arith.select %lt3A_600, %sub3A_599, %select_n3A_579 : vector<4096x128xi1>, vector<4096x128xf32>
    %mul3A_602 = arith.constant 1.000000e+00 : f32
    %mul3A_603 = arith.constant 3.000000e+01 : f32
    %mul3A_604 = arith.mulf %mul3A_602, %mul3A_603 : f32
    %broadcast_in_dim3A_605 = vector.broadcast %mul3A_604 : f32 to vector<4096x128xf32>
    %select_n3A_606 = arith.select %lt3A_600, %broadcast_in_dim3A_605, %select_n3A_584 : vector<4096x128xi1>, vector<4096x128xf32>
    %get3A_607 = arith.constant 3 : index
    %get3A_608 = arith.constant 0 : index
    %get3A_609 = arith.constant 896 : index
    %get3A_610 = vector.load %arg3[%get3A_607, %get3A_608, %get3A_609] : memref<8x1x1024xf32, #tpu.memory_space<vmem>>, vector<1x1x128xf32>
    %get3A_611 = vector.shape_cast %get3A_610 : vector<1x1x128xf32> to vector<1x128xf32>
    %add3A_612 = vector.broadcast %get3A_6 : vector<4096x1xf32> to vector<4096x128xf32>
    %add3A_613 = vector.broadcast %get3A_611 : vector<1x128xf32> to vector<4096x128xf32>
    %add3A_614 = arith.addf %add3A_612, %add3A_613 : vector<4096x128xf32>
    %slice3A_615 = vector.extract_strided_slice %dot_general3A_550 {offsets = [0, 128], sizes = [4096, 128], strides = [1, 1]} : vector<4096x256xf32> to vector<4096x128xf32>
    %sub3A_616 = arith.subf %add3A_614, %slice3A_615 : vector<4096x128xf32>
    %lt3A_617 = arith.cmpf olt, %sub3A_616, %select_n3A_601 : vector<4096x128xf32>
    %select_n3A_618 = arith.select %lt3A_617, %sub3A_616, %select_n3A_601 : vector<4096x128xi1>, vector<4096x128xf32>
    %mul3A_619 = arith.constant 1.000000e+00 : f32
    %mul3A_620 = arith.constant 3.100000e+01 : f32
    %mul3A_621 = arith.mulf %mul3A_619, %mul3A_620 : f32
    %broadcast_in_dim3A_622 = vector.broadcast %mul3A_621 : f32 to vector<4096x128xf32>
    %select_n3A_623 = arith.select %lt3A_617, %broadcast_in_dim3A_622, %select_n3A_606 : vector<4096x128xi1>, vector<4096x128xf32>
    %get3A_624 = arith.constant 4352 : index
    %get3A_625 = arith.constant 0 : index
    %get3A_626 = vector.load %arg1[%get3A_624, %get3A_625] : memref<8192x32xf32, #tpu.memory_space<vmem>>, vector<256x32xf32>
    %dot_general3A_627 = arith.constant dense<0.000000e+00> : vector<4096x256xf32>
    %dot_general3A_628 = tpu.matmul %mul3A_3, %get3A_626, %dot_general3A_627 {dimension_numbers = #tpu.dot_dimension_numbers<[1], [1], [0], [0], [0, 0, 1, 0], [], []>, transpose_lhs_hint = false} : vector<4096x32xf32>, vector<256x32xf32>, vector<4096x256xf32> -> vector<4096x256xf32>
    %get3A_629 = arith.constant 4 : index
    %get3A_630 = arith.constant 0 : index
    %get3A_631 = arith.constant 0 : index
    %get3A_632 = vector.load %arg3[%get3A_629, %get3A_630, %get3A_631] : memref<8x1x1024xf32, #tpu.memory_space<vmem>>, vector<1x1x128xf32>
    %get3A_633 = vector.shape_cast %get3A_632 : vector<1x1x128xf32> to vector<1x128xf32>
    %add3A_634 = vector.broadcast %get3A_6 : vector<4096x1xf32> to vector<4096x128xf32>
    %add3A_635 = vector.broadcast %get3A_633 : vector<1x128xf32> to vector<4096x128xf32>
    %add3A_636 = arith.addf %add3A_634, %add3A_635 : vector<4096x128xf32>
    %slice3A_637 = vector.extract_strided_slice %dot_general3A_589 {offsets = [0, 0], sizes = [4096, 128], strides = [1, 1]} : vector<4096x256xf32> to vector<4096x128xf32>
    %sub3A_638 = arith.subf %add3A_636, %slice3A_637 : vector<4096x128xf32>
    %lt3A_639 = arith.cmpf olt, %sub3A_638, %select_n3A_618 : vector<4096x128xf32>
    %select_n3A_640 = arith.select %lt3A_639, %sub3A_638, %select_n3A_618 : vector<4096x128xi1>, vector<4096x128xf32>
    %mul3A_641 = arith.constant 1.000000e+00 : f32
    %mul3A_642 = arith.constant 3.200000e+01 : f32
    %mul3A_643 = arith.mulf %mul3A_641, %mul3A_642 : f32
    %broadcast_in_dim3A_644 = vector.broadcast %mul3A_643 : f32 to vector<4096x128xf32>
    %select_n3A_645 = arith.select %lt3A_639, %broadcast_in_dim3A_644, %select_n3A_623 : vector<4096x128xi1>, vector<4096x128xf32>
    %get3A_646 = arith.constant 4 : index
    %get3A_647 = arith.constant 0 : index
    %get3A_648 = arith.constant 128 : index
    %get3A_649 = vector.load %arg3[%get3A_646, %get3A_647, %get3A_648] : memref<8x1x1024xf32, #tpu.memory_space<vmem>>, vector<1x1x128xf32>
    %get3A_650 = vector.shape_cast %get3A_649 : vector<1x1x128xf32> to vector<1x128xf32>
    %add3A_651 = vector.broadcast %get3A_6 : vector<4096x1xf32> to vector<4096x128xf32>
    %add3A_652 = vector.broadcast %get3A_650 : vector<1x128xf32> to vector<4096x128xf32>
    %add3A_653 = arith.addf %add3A_651, %add3A_652 : vector<4096x128xf32>
    %slice3A_654 = vector.extract_strided_slice %dot_general3A_589 {offsets = [0, 128], sizes = [4096, 128], strides = [1, 1]} : vector<4096x256xf32> to vector<4096x128xf32>
    %sub3A_655 = arith.subf %add3A_653, %slice3A_654 : vector<4096x128xf32>
    %lt3A_656 = arith.cmpf olt, %sub3A_655, %select_n3A_640 : vector<4096x128xf32>
    %select_n3A_657 = arith.select %lt3A_656, %sub3A_655, %select_n3A_640 : vector<4096x128xi1>, vector<4096x128xf32>
    %mul3A_658 = arith.constant 1.000000e+00 : f32
    %mul3A_659 = arith.constant 3.300000e+01 : f32
    %mul3A_660 = arith.mulf %mul3A_658, %mul3A_659 : f32
    %broadcast_in_dim3A_661 = vector.broadcast %mul3A_660 : f32 to vector<4096x128xf32>
    %select_n3A_662 = arith.select %lt3A_656, %broadcast_in_dim3A_661, %select_n3A_645 : vector<4096x128xi1>, vector<4096x128xf32>
    %get3A_663 = arith.constant 4608 : index
    %get3A_664 = arith.constant 0 : index
    %get3A_665 = vector.load %arg1[%get3A_663, %get3A_664] : memref<8192x32xf32, #tpu.memory_space<vmem>>, vector<256x32xf32>
    %dot_general3A_666 = arith.constant dense<0.000000e+00> : vector<4096x256xf32>
    %dot_general3A_667 = tpu.matmul %mul3A_3, %get3A_665, %dot_general3A_666 {dimension_numbers = #tpu.dot_dimension_numbers<[1], [1], [0], [0], [0, 0, 1, 0], [], []>, transpose_lhs_hint = false} : vector<4096x32xf32>, vector<256x32xf32>, vector<4096x256xf32> -> vector<4096x256xf32>
    %get3A_668 = arith.constant 4 : index
    %get3A_669 = arith.constant 0 : index
    %get3A_670 = arith.constant 256 : index
    %get3A_671 = vector.load %arg3[%get3A_668, %get3A_669, %get3A_670] : memref<8x1x1024xf32, #tpu.memory_space<vmem>>, vector<1x1x128xf32>
    %get3A_672 = vector.shape_cast %get3A_671 : vector<1x1x128xf32> to vector<1x128xf32>
    %add3A_673 = vector.broadcast %get3A_6 : vector<4096x1xf32> to vector<4096x128xf32>
    %add3A_674 = vector.broadcast %get3A_672 : vector<1x128xf32> to vector<4096x128xf32>
    %add3A_675 = arith.addf %add3A_673, %add3A_674 : vector<4096x128xf32>
    %slice3A_676 = vector.extract_strided_slice %dot_general3A_628 {offsets = [0, 0], sizes = [4096, 128], strides = [1, 1]} : vector<4096x256xf32> to vector<4096x128xf32>
    %sub3A_677 = arith.subf %add3A_675, %slice3A_676 : vector<4096x128xf32>
    %lt3A_678 = arith.cmpf olt, %sub3A_677, %select_n3A_657 : vector<4096x128xf32>
    %select_n3A_679 = arith.select %lt3A_678, %sub3A_677, %select_n3A_657 : vector<4096x128xi1>, vector<4096x128xf32>
    %mul3A_680 = arith.constant 1.000000e+00 : f32
    %mul3A_681 = arith.constant 3.400000e+01 : f32
    %mul3A_682 = arith.mulf %mul3A_680, %mul3A_681 : f32
    %broadcast_in_dim3A_683 = vector.broadcast %mul3A_682 : f32 to vector<4096x128xf32>
    %select_n3A_684 = arith.select %lt3A_678, %broadcast_in_dim3A_683, %select_n3A_662 : vector<4096x128xi1>, vector<4096x128xf32>
    %get3A_685 = arith.constant 4 : index
    %get3A_686 = arith.constant 0 : index
    %get3A_687 = arith.constant 384 : index
    %get3A_688 = vector.load %arg3[%get3A_685, %get3A_686, %get3A_687] : memref<8x1x1024xf32, #tpu.memory_space<vmem>>, vector<1x1x128xf32>
    %get3A_689 = vector.shape_cast %get3A_688 : vector<1x1x128xf32> to vector<1x128xf32>
    %add3A_690 = vector.broadcast %get3A_6 : vector<4096x1xf32> to vector<4096x128xf32>
    %add3A_691 = vector.broadcast %get3A_689 : vector<1x128xf32> to vector<4096x128xf32>
    %add3A_692 = arith.addf %add3A_690, %add3A_691 : vector<4096x128xf32>
    %slice3A_693 = vector.extract_strided_slice %dot_general3A_628 {offsets = [0, 128], sizes = [4096, 128], strides = [1, 1]} : vector<4096x256xf32> to vector<4096x128xf32>
    %sub3A_694 = arith.subf %add3A_692, %slice3A_693 : vector<4096x128xf32>
    %lt3A_695 = arith.cmpf olt, %sub3A_694, %select_n3A_679 : vector<4096x128xf32>
    %select_n3A_696 = arith.select %lt3A_695, %sub3A_694, %select_n3A_679 : vector<4096x128xi1>, vector<4096x128xf32>
    %mul3A_697 = arith.constant 1.000000e+00 : f32
    %mul3A_698 = arith.constant 3.500000e+01 : f32
    %mul3A_699 = arith.mulf %mul3A_697, %mul3A_698 : f32
    %broadcast_in_dim3A_700 = vector.broadcast %mul3A_699 : f32 to vector<4096x128xf32>
    %select_n3A_701 = arith.select %lt3A_695, %broadcast_in_dim3A_700, %select_n3A_684 : vector<4096x128xi1>, vector<4096x128xf32>
    %get3A_702 = arith.constant 4864 : index
    %get3A_703 = arith.constant 0 : index
    %get3A_704 = vector.load %arg1[%get3A_702, %get3A_703] : memref<8192x32xf32, #tpu.memory_space<vmem>>, vector<256x32xf32>
    %dot_general3A_705 = arith.constant dense<0.000000e+00> : vector<4096x256xf32>
    %dot_general3A_706 = tpu.matmul %mul3A_3, %get3A_704, %dot_general3A_705 {dimension_numbers = #tpu.dot_dimension_numbers<[1], [1], [0], [0], [0, 0, 1, 0], [], []>, transpose_lhs_hint = false} : vector<4096x32xf32>, vector<256x32xf32>, vector<4096x256xf32> -> vector<4096x256xf32>
    %get3A_707 = arith.constant 4 : index
    %get3A_708 = arith.constant 0 : index
    %get3A_709 = arith.constant 512 : index
    %get3A_710 = vector.load %arg3[%get3A_707, %get3A_708, %get3A_709] : memref<8x1x1024xf32, #tpu.memory_space<vmem>>, vector<1x1x128xf32>
    %get3A_711 = vector.shape_cast %get3A_710 : vector<1x1x128xf32> to vector<1x128xf32>
    %add3A_712 = vector.broadcast %get3A_6 : vector<4096x1xf32> to vector<4096x128xf32>
    %add3A_713 = vector.broadcast %get3A_711 : vector<1x128xf32> to vector<4096x128xf32>
    %add3A_714 = arith.addf %add3A_712, %add3A_713 : vector<4096x128xf32>
    %slice3A_715 = vector.extract_strided_slice %dot_general3A_667 {offsets = [0, 0], sizes = [4096, 128], strides = [1, 1]} : vector<4096x256xf32> to vector<4096x128xf32>
    %sub3A_716 = arith.subf %add3A_714, %slice3A_715 : vector<4096x128xf32>
    %lt3A_717 = arith.cmpf olt, %sub3A_716, %select_n3A_696 : vector<4096x128xf32>
    %select_n3A_718 = arith.select %lt3A_717, %sub3A_716, %select_n3A_696 : vector<4096x128xi1>, vector<4096x128xf32>
    %mul3A_719 = arith.constant 1.000000e+00 : f32
    %mul3A_720 = arith.constant 3.600000e+01 : f32
    %mul3A_721 = arith.mulf %mul3A_719, %mul3A_720 : f32
    %broadcast_in_dim3A_722 = vector.broadcast %mul3A_721 : f32 to vector<4096x128xf32>
    %select_n3A_723 = arith.select %lt3A_717, %broadcast_in_dim3A_722, %select_n3A_701 : vector<4096x128xi1>, vector<4096x128xf32>
    %get3A_724 = arith.constant 4 : index
    %get3A_725 = arith.constant 0 : index
    %get3A_726 = arith.constant 640 : index
    %get3A_727 = vector.load %arg3[%get3A_724, %get3A_725, %get3A_726] : memref<8x1x1024xf32, #tpu.memory_space<vmem>>, vector<1x1x128xf32>
    %get3A_728 = vector.shape_cast %get3A_727 : vector<1x1x128xf32> to vector<1x128xf32>
    %add3A_729 = vector.broadcast %get3A_6 : vector<4096x1xf32> to vector<4096x128xf32>
    %add3A_730 = vector.broadcast %get3A_728 : vector<1x128xf32> to vector<4096x128xf32>
    %add3A_731 = arith.addf %add3A_729, %add3A_730 : vector<4096x128xf32>
    %slice3A_732 = vector.extract_strided_slice %dot_general3A_667 {offsets = [0, 128], sizes = [4096, 128], strides = [1, 1]} : vector<4096x256xf32> to vector<4096x128xf32>
    %sub3A_733 = arith.subf %add3A_731, %slice3A_732 : vector<4096x128xf32>
    %lt3A_734 = arith.cmpf olt, %sub3A_733, %select_n3A_718 : vector<4096x128xf32>
    %select_n3A_735 = arith.select %lt3A_734, %sub3A_733, %select_n3A_718 : vector<4096x128xi1>, vector<4096x128xf32>
    %mul3A_736 = arith.constant 1.000000e+00 : f32
    %mul3A_737 = arith.constant 3.700000e+01 : f32
    %mul3A_738 = arith.mulf %mul3A_736, %mul3A_737 : f32
    %broadcast_in_dim3A_739 = vector.broadcast %mul3A_738 : f32 to vector<4096x128xf32>
    %select_n3A_740 = arith.select %lt3A_734, %broadcast_in_dim3A_739, %select_n3A_723 : vector<4096x128xi1>, vector<4096x128xf32>
    %get3A_741 = arith.constant 5120 : index
    %get3A_742 = arith.constant 0 : index
    %get3A_743 = vector.load %arg1[%get3A_741, %get3A_742] : memref<8192x32xf32, #tpu.memory_space<vmem>>, vector<256x32xf32>
    %dot_general3A_744 = arith.constant dense<0.000000e+00> : vector<4096x256xf32>
    %dot_general3A_745 = tpu.matmul %mul3A_3, %get3A_743, %dot_general3A_744 {dimension_numbers = #tpu.dot_dimension_numbers<[1], [1], [0], [0], [0, 0, 1, 0], [], []>, transpose_lhs_hint = false} : vector<4096x32xf32>, vector<256x32xf32>, vector<4096x256xf32> -> vector<4096x256xf32>
    %get3A_746 = arith.constant 4 : index
    %get3A_747 = arith.constant 0 : index
    %get3A_748 = arith.constant 768 : index
    %get3A_749 = vector.load %arg3[%get3A_746, %get3A_747, %get3A_748] : memref<8x1x1024xf32, #tpu.memory_space<vmem>>, vector<1x1x128xf32>
    %get3A_750 = vector.shape_cast %get3A_749 : vector<1x1x128xf32> to vector<1x128xf32>
    %add3A_751 = vector.broadcast %get3A_6 : vector<4096x1xf32> to vector<4096x128xf32>
    %add3A_752 = vector.broadcast %get3A_750 : vector<1x128xf32> to vector<4096x128xf32>
    %add3A_753 = arith.addf %add3A_751, %add3A_752 : vector<4096x128xf32>
    %slice3A_754 = vector.extract_strided_slice %dot_general3A_706 {offsets = [0, 0], sizes = [4096, 128], strides = [1, 1]} : vector<4096x256xf32> to vector<4096x128xf32>
    %sub3A_755 = arith.subf %add3A_753, %slice3A_754 : vector<4096x128xf32>
    %lt3A_756 = arith.cmpf olt, %sub3A_755, %select_n3A_735 : vector<4096x128xf32>
    %select_n3A_757 = arith.select %lt3A_756, %sub3A_755, %select_n3A_735 : vector<4096x128xi1>, vector<4096x128xf32>
    %mul3A_758 = arith.constant 1.000000e+00 : f32
    %mul3A_759 = arith.constant 3.800000e+01 : f32
    %mul3A_760 = arith.mulf %mul3A_758, %mul3A_759 : f32
    %broadcast_in_dim3A_761 = vector.broadcast %mul3A_760 : f32 to vector<4096x128xf32>
    %select_n3A_762 = arith.select %lt3A_756, %broadcast_in_dim3A_761, %select_n3A_740 : vector<4096x128xi1>, vector<4096x128xf32>
    %get3A_763 = arith.constant 4 : index
    %get3A_764 = arith.constant 0 : index
    %get3A_765 = arith.constant 896 : index
    %get3A_766 = vector.load %arg3[%get3A_763, %get3A_764, %get3A_765] : memref<8x1x1024xf32, #tpu.memory_space<vmem>>, vector<1x1x128xf32>
    %get3A_767 = vector.shape_cast %get3A_766 : vector<1x1x128xf32> to vector<1x128xf32>
    %add3A_768 = vector.broadcast %get3A_6 : vector<4096x1xf32> to vector<4096x128xf32>
    %add3A_769 = vector.broadcast %get3A_767 : vector<1x128xf32> to vector<4096x128xf32>
    %add3A_770 = arith.addf %add3A_768, %add3A_769 : vector<4096x128xf32>
    %slice3A_771 = vector.extract_strided_slice %dot_general3A_706 {offsets = [0, 128], sizes = [4096, 128], strides = [1, 1]} : vector<4096x256xf32> to vector<4096x128xf32>
    %sub3A_772 = arith.subf %add3A_770, %slice3A_771 : vector<4096x128xf32>
    %lt3A_773 = arith.cmpf olt, %sub3A_772, %select_n3A_757 : vector<4096x128xf32>
    %select_n3A_774 = arith.select %lt3A_773, %sub3A_772, %select_n3A_757 : vector<4096x128xi1>, vector<4096x128xf32>
    %mul3A_775 = arith.constant 1.000000e+00 : f32
    %mul3A_776 = arith.constant 3.900000e+01 : f32
    %mul3A_777 = arith.mulf %mul3A_775, %mul3A_776 : f32
    %broadcast_in_dim3A_778 = vector.broadcast %mul3A_777 : f32 to vector<4096x128xf32>
    %select_n3A_779 = arith.select %lt3A_773, %broadcast_in_dim3A_778, %select_n3A_762 : vector<4096x128xi1>, vector<4096x128xf32>
    %get3A_780 = arith.constant 5376 : index
    %get3A_781 = arith.constant 0 : index
    %get3A_782 = vector.load %arg1[%get3A_780, %get3A_781] : memref<8192x32xf32, #tpu.memory_space<vmem>>, vector<256x32xf32>
    %dot_general3A_783 = arith.constant dense<0.000000e+00> : vector<4096x256xf32>
    %dot_general3A_784 = tpu.matmul %mul3A_3, %get3A_782, %dot_general3A_783 {dimension_numbers = #tpu.dot_dimension_numbers<[1], [1], [0], [0], [0, 0, 1, 0], [], []>, transpose_lhs_hint = false} : vector<4096x32xf32>, vector<256x32xf32>, vector<4096x256xf32> -> vector<4096x256xf32>
    %get3A_785 = arith.constant 5 : index
    %get3A_786 = arith.constant 0 : index
    %get3A_787 = arith.constant 0 : index
    %get3A_788 = vector.load %arg3[%get3A_785, %get3A_786, %get3A_787] : memref<8x1x1024xf32, #tpu.memory_space<vmem>>, vector<1x1x128xf32>
    %get3A_789 = vector.shape_cast %get3A_788 : vector<1x1x128xf32> to vector<1x128xf32>
    %add3A_790 = vector.broadcast %get3A_6 : vector<4096x1xf32> to vector<4096x128xf32>
    %add3A_791 = vector.broadcast %get3A_789 : vector<1x128xf32> to vector<4096x128xf32>
    %add3A_792 = arith.addf %add3A_790, %add3A_791 : vector<4096x128xf32>
    %slice3A_793 = vector.extract_strided_slice %dot_general3A_745 {offsets = [0, 0], sizes = [4096, 128], strides = [1, 1]} : vector<4096x256xf32> to vector<4096x128xf32>
    %sub3A_794 = arith.subf %add3A_792, %slice3A_793 : vector<4096x128xf32>
    %lt3A_795 = arith.cmpf olt, %sub3A_794, %select_n3A_774 : vector<4096x128xf32>
    %select_n3A_796 = arith.select %lt3A_795, %sub3A_794, %select_n3A_774 : vector<4096x128xi1>, vector<4096x128xf32>
    %mul3A_797 = arith.constant 1.000000e+00 : f32
    %mul3A_798 = arith.constant 4.000000e+01 : f32
    %mul3A_799 = arith.mulf %mul3A_797, %mul3A_798 : f32
    %broadcast_in_dim3A_800 = vector.broadcast %mul3A_799 : f32 to vector<4096x128xf32>
    %select_n3A_801 = arith.select %lt3A_795, %broadcast_in_dim3A_800, %select_n3A_779 : vector<4096x128xi1>, vector<4096x128xf32>
    %get3A_802 = arith.constant 5 : index
    %get3A_803 = arith.constant 0 : index
    %get3A_804 = arith.constant 128 : index
    %get3A_805 = vector.load %arg3[%get3A_802, %get3A_803, %get3A_804] : memref<8x1x1024xf32, #tpu.memory_space<vmem>>, vector<1x1x128xf32>
    %get3A_806 = vector.shape_cast %get3A_805 : vector<1x1x128xf32> to vector<1x128xf32>
    %add3A_807 = vector.broadcast %get3A_6 : vector<4096x1xf32> to vector<4096x128xf32>
    %add3A_808 = vector.broadcast %get3A_806 : vector<1x128xf32> to vector<4096x128xf32>
    %add3A_809 = arith.addf %add3A_807, %add3A_808 : vector<4096x128xf32>
    %slice3A_810 = vector.extract_strided_slice %dot_general3A_745 {offsets = [0, 128], sizes = [4096, 128], strides = [1, 1]} : vector<4096x256xf32> to vector<4096x128xf32>
    %sub3A_811 = arith.subf %add3A_809, %slice3A_810 : vector<4096x128xf32>
    %lt3A_812 = arith.cmpf olt, %sub3A_811, %select_n3A_796 : vector<4096x128xf32>
    %select_n3A_813 = arith.select %lt3A_812, %sub3A_811, %select_n3A_796 : vector<4096x128xi1>, vector<4096x128xf32>
    %mul3A_814 = arith.constant 1.000000e+00 : f32
    %mul3A_815 = arith.constant 4.100000e+01 : f32
    %mul3A_816 = arith.mulf %mul3A_814, %mul3A_815 : f32
    %broadcast_in_dim3A_817 = vector.broadcast %mul3A_816 : f32 to vector<4096x128xf32>
    %select_n3A_818 = arith.select %lt3A_812, %broadcast_in_dim3A_817, %select_n3A_801 : vector<4096x128xi1>, vector<4096x128xf32>
    %get3A_819 = arith.constant 5632 : index
    %get3A_820 = arith.constant 0 : index
    %get3A_821 = vector.load %arg1[%get3A_819, %get3A_820] : memref<8192x32xf32, #tpu.memory_space<vmem>>, vector<256x32xf32>
    %dot_general3A_822 = arith.constant dense<0.000000e+00> : vector<4096x256xf32>
    %dot_general3A_823 = tpu.matmul %mul3A_3, %get3A_821, %dot_general3A_822 {dimension_numbers = #tpu.dot_dimension_numbers<[1], [1], [0], [0], [0, 0, 1, 0], [], []>, transpose_lhs_hint = false} : vector<4096x32xf32>, vector<256x32xf32>, vector<4096x256xf32> -> vector<4096x256xf32>
    %get3A_824 = arith.constant 5 : index
    %get3A_825 = arith.constant 0 : index
    %get3A_826 = arith.constant 256 : index
    %get3A_827 = vector.load %arg3[%get3A_824, %get3A_825, %get3A_826] : memref<8x1x1024xf32, #tpu.memory_space<vmem>>, vector<1x1x128xf32>
    %get3A_828 = vector.shape_cast %get3A_827 : vector<1x1x128xf32> to vector<1x128xf32>
    %add3A_829 = vector.broadcast %get3A_6 : vector<4096x1xf32> to vector<4096x128xf32>
    %add3A_830 = vector.broadcast %get3A_828 : vector<1x128xf32> to vector<4096x128xf32>
    %add3A_831 = arith.addf %add3A_829, %add3A_830 : vector<4096x128xf32>
    %slice3A_832 = vector.extract_strided_slice %dot_general3A_784 {offsets = [0, 0], sizes = [4096, 128], strides = [1, 1]} : vector<4096x256xf32> to vector<4096x128xf32>
    %sub3A_833 = arith.subf %add3A_831, %slice3A_832 : vector<4096x128xf32>
    %lt3A_834 = arith.cmpf olt, %sub3A_833, %select_n3A_813 : vector<4096x128xf32>
    %select_n3A_835 = arith.select %lt3A_834, %sub3A_833, %select_n3A_813 : vector<4096x128xi1>, vector<4096x128xf32>
    %mul3A_836 = arith.constant 1.000000e+00 : f32
    %mul3A_837 = arith.constant 4.200000e+01 : f32
    %mul3A_838 = arith.mulf %mul3A_836, %mul3A_837 : f32
    %broadcast_in_dim3A_839 = vector.broadcast %mul3A_838 : f32 to vector<4096x128xf32>
    %select_n3A_840 = arith.select %lt3A_834, %broadcast_in_dim3A_839, %select_n3A_818 : vector<4096x128xi1>, vector<4096x128xf32>
    %get3A_841 = arith.constant 5 : index
    %get3A_842 = arith.constant 0 : index
    %get3A_843 = arith.constant 384 : index
    %get3A_844 = vector.load %arg3[%get3A_841, %get3A_842, %get3A_843] : memref<8x1x1024xf32, #tpu.memory_space<vmem>>, vector<1x1x128xf32>
    %get3A_845 = vector.shape_cast %get3A_844 : vector<1x1x128xf32> to vector<1x128xf32>
    %add3A_846 = vector.broadcast %get3A_6 : vector<4096x1xf32> to vector<4096x128xf32>
    %add3A_847 = vector.broadcast %get3A_845 : vector<1x128xf32> to vector<4096x128xf32>
    %add3A_848 = arith.addf %add3A_846, %add3A_847 : vector<4096x128xf32>
    %slice3A_849 = vector.extract_strided_slice %dot_general3A_784 {offsets = [0, 128], sizes = [4096, 128], strides = [1, 1]} : vector<4096x256xf32> to vector<4096x128xf32>
    %sub3A_850 = arith.subf %add3A_848, %slice3A_849 : vector<4096x128xf32>
    %lt3A_851 = arith.cmpf olt, %sub3A_850, %select_n3A_835 : vector<4096x128xf32>
    %select_n3A_852 = arith.select %lt3A_851, %sub3A_850, %select_n3A_835 : vector<4096x128xi1>, vector<4096x128xf32>
    %mul3A_853 = arith.constant 1.000000e+00 : f32
    %mul3A_854 = arith.constant 4.300000e+01 : f32
    %mul3A_855 = arith.mulf %mul3A_853, %mul3A_854 : f32
    %broadcast_in_dim3A_856 = vector.broadcast %mul3A_855 : f32 to vector<4096x128xf32>
    %select_n3A_857 = arith.select %lt3A_851, %broadcast_in_dim3A_856, %select_n3A_840 : vector<4096x128xi1>, vector<4096x128xf32>
    %get3A_858 = arith.constant 5888 : index
    %get3A_859 = arith.constant 0 : index
    %get3A_860 = vector.load %arg1[%get3A_858, %get3A_859] : memref<8192x32xf32, #tpu.memory_space<vmem>>, vector<256x32xf32>
    %dot_general3A_861 = arith.constant dense<0.000000e+00> : vector<4096x256xf32>
    %dot_general3A_862 = tpu.matmul %mul3A_3, %get3A_860, %dot_general3A_861 {dimension_numbers = #tpu.dot_dimension_numbers<[1], [1], [0], [0], [0, 0, 1, 0], [], []>, transpose_lhs_hint = false} : vector<4096x32xf32>, vector<256x32xf32>, vector<4096x256xf32> -> vector<4096x256xf32>
    %get3A_863 = arith.constant 5 : index
    %get3A_864 = arith.constant 0 : index
    %get3A_865 = arith.constant 512 : index
    %get3A_866 = vector.load %arg3[%get3A_863, %get3A_864, %get3A_865] : memref<8x1x1024xf32, #tpu.memory_space<vmem>>, vector<1x1x128xf32>
    %get3A_867 = vector.shape_cast %get3A_866 : vector<1x1x128xf32> to vector<1x128xf32>
    %add3A_868 = vector.broadcast %get3A_6 : vector<4096x1xf32> to vector<4096x128xf32>
    %add3A_869 = vector.broadcast %get3A_867 : vector<1x128xf32> to vector<4096x128xf32>
    %add3A_870 = arith.addf %add3A_868, %add3A_869 : vector<4096x128xf32>
    %slice3A_871 = vector.extract_strided_slice %dot_general3A_823 {offsets = [0, 0], sizes = [4096, 128], strides = [1, 1]} : vector<4096x256xf32> to vector<4096x128xf32>
    %sub3A_872 = arith.subf %add3A_870, %slice3A_871 : vector<4096x128xf32>
    %lt3A_873 = arith.cmpf olt, %sub3A_872, %select_n3A_852 : vector<4096x128xf32>
    %select_n3A_874 = arith.select %lt3A_873, %sub3A_872, %select_n3A_852 : vector<4096x128xi1>, vector<4096x128xf32>
    %mul3A_875 = arith.constant 1.000000e+00 : f32
    %mul3A_876 = arith.constant 4.400000e+01 : f32
    %mul3A_877 = arith.mulf %mul3A_875, %mul3A_876 : f32
    %broadcast_in_dim3A_878 = vector.broadcast %mul3A_877 : f32 to vector<4096x128xf32>
    %select_n3A_879 = arith.select %lt3A_873, %broadcast_in_dim3A_878, %select_n3A_857 : vector<4096x128xi1>, vector<4096x128xf32>
    %get3A_880 = arith.constant 5 : index
    %get3A_881 = arith.constant 0 : index
    %get3A_882 = arith.constant 640 : index
    %get3A_883 = vector.load %arg3[%get3A_880, %get3A_881, %get3A_882] : memref<8x1x1024xf32, #tpu.memory_space<vmem>>, vector<1x1x128xf32>
    %get3A_884 = vector.shape_cast %get3A_883 : vector<1x1x128xf32> to vector<1x128xf32>
    %add3A_885 = vector.broadcast %get3A_6 : vector<4096x1xf32> to vector<4096x128xf32>
    %add3A_886 = vector.broadcast %get3A_884 : vector<1x128xf32> to vector<4096x128xf32>
    %add3A_887 = arith.addf %add3A_885, %add3A_886 : vector<4096x128xf32>
    %slice3A_888 = vector.extract_strided_slice %dot_general3A_823 {offsets = [0, 128], sizes = [4096, 128], strides = [1, 1]} : vector<4096x256xf32> to vector<4096x128xf32>
    %sub3A_889 = arith.subf %add3A_887, %slice3A_888 : vector<4096x128xf32>
    %lt3A_890 = arith.cmpf olt, %sub3A_889, %select_n3A_874 : vector<4096x128xf32>
    %select_n3A_891 = arith.select %lt3A_890, %sub3A_889, %select_n3A_874 : vector<4096x128xi1>, vector<4096x128xf32>
    %mul3A_892 = arith.constant 1.000000e+00 : f32
    %mul3A_893 = arith.constant 4.500000e+01 : f32
    %mul3A_894 = arith.mulf %mul3A_892, %mul3A_893 : f32
    %broadcast_in_dim3A_895 = vector.broadcast %mul3A_894 : f32 to vector<4096x128xf32>
    %select_n3A_896 = arith.select %lt3A_890, %broadcast_in_dim3A_895, %select_n3A_879 : vector<4096x128xi1>, vector<4096x128xf32>
    %get3A_897 = arith.constant 6144 : index
    %get3A_898 = arith.constant 0 : index
    %get3A_899 = vector.load %arg1[%get3A_897, %get3A_898] : memref<8192x32xf32, #tpu.memory_space<vmem>>, vector<256x32xf32>
    %dot_general3A_900 = arith.constant dense<0.000000e+00> : vector<4096x256xf32>
    %dot_general3A_901 = tpu.matmul %mul3A_3, %get3A_899, %dot_general3A_900 {dimension_numbers = #tpu.dot_dimension_numbers<[1], [1], [0], [0], [0, 0, 1, 0], [], []>, transpose_lhs_hint = false} : vector<4096x32xf32>, vector<256x32xf32>, vector<4096x256xf32> -> vector<4096x256xf32>
    %get3A_902 = arith.constant 5 : index
    %get3A_903 = arith.constant 0 : index
    %get3A_904 = arith.constant 768 : index
    %get3A_905 = vector.load %arg3[%get3A_902, %get3A_903, %get3A_904] : memref<8x1x1024xf32, #tpu.memory_space<vmem>>, vector<1x1x128xf32>
    %get3A_906 = vector.shape_cast %get3A_905 : vector<1x1x128xf32> to vector<1x128xf32>
    %add3A_907 = vector.broadcast %get3A_6 : vector<4096x1xf32> to vector<4096x128xf32>
    %add3A_908 = vector.broadcast %get3A_906 : vector<1x128xf32> to vector<4096x128xf32>
    %add3A_909 = arith.addf %add3A_907, %add3A_908 : vector<4096x128xf32>
    %slice3A_910 = vector.extract_strided_slice %dot_general3A_862 {offsets = [0, 0], sizes = [4096, 128], strides = [1, 1]} : vector<4096x256xf32> to vector<4096x128xf32>
    %sub3A_911 = arith.subf %add3A_909, %slice3A_910 : vector<4096x128xf32>
    %lt3A_912 = arith.cmpf olt, %sub3A_911, %select_n3A_891 : vector<4096x128xf32>
    %select_n3A_913 = arith.select %lt3A_912, %sub3A_911, %select_n3A_891 : vector<4096x128xi1>, vector<4096x128xf32>
    %mul3A_914 = arith.constant 1.000000e+00 : f32
    %mul3A_915 = arith.constant 4.600000e+01 : f32
    %mul3A_916 = arith.mulf %mul3A_914, %mul3A_915 : f32
    %broadcast_in_dim3A_917 = vector.broadcast %mul3A_916 : f32 to vector<4096x128xf32>
    %select_n3A_918 = arith.select %lt3A_912, %broadcast_in_dim3A_917, %select_n3A_896 : vector<4096x128xi1>, vector<4096x128xf32>
    %get3A_919 = arith.constant 5 : index
    %get3A_920 = arith.constant 0 : index
    %get3A_921 = arith.constant 896 : index
    %get3A_922 = vector.load %arg3[%get3A_919, %get3A_920, %get3A_921] : memref<8x1x1024xf32, #tpu.memory_space<vmem>>, vector<1x1x128xf32>
    %get3A_923 = vector.shape_cast %get3A_922 : vector<1x1x128xf32> to vector<1x128xf32>
    %add3A_924 = vector.broadcast %get3A_6 : vector<4096x1xf32> to vector<4096x128xf32>
    %add3A_925 = vector.broadcast %get3A_923 : vector<1x128xf32> to vector<4096x128xf32>
    %add3A_926 = arith.addf %add3A_924, %add3A_925 : vector<4096x128xf32>
    %slice3A_927 = vector.extract_strided_slice %dot_general3A_862 {offsets = [0, 128], sizes = [4096, 128], strides = [1, 1]} : vector<4096x256xf32> to vector<4096x128xf32>
    %sub3A_928 = arith.subf %add3A_926, %slice3A_927 : vector<4096x128xf32>
    %lt3A_929 = arith.cmpf olt, %sub3A_928, %select_n3A_913 : vector<4096x128xf32>
    %select_n3A_930 = arith.select %lt3A_929, %sub3A_928, %select_n3A_913 : vector<4096x128xi1>, vector<4096x128xf32>
    %mul3A_931 = arith.constant 1.000000e+00 : f32
    %mul3A_932 = arith.constant 4.700000e+01 : f32
    %mul3A_933 = arith.mulf %mul3A_931, %mul3A_932 : f32
    %broadcast_in_dim3A_934 = vector.broadcast %mul3A_933 : f32 to vector<4096x128xf32>
    %select_n3A_935 = arith.select %lt3A_929, %broadcast_in_dim3A_934, %select_n3A_918 : vector<4096x128xi1>, vector<4096x128xf32>
    %get3A_936 = arith.constant 6400 : index
    %get3A_937 = arith.constant 0 : index
    %get3A_938 = vector.load %arg1[%get3A_936, %get3A_937] : memref<8192x32xf32, #tpu.memory_space<vmem>>, vector<256x32xf32>
    %dot_general3A_939 = arith.constant dense<0.000000e+00> : vector<4096x256xf32>
    %dot_general3A_940 = tpu.matmul %mul3A_3, %get3A_938, %dot_general3A_939 {dimension_numbers = #tpu.dot_dimension_numbers<[1], [1], [0], [0], [0, 0, 1, 0], [], []>, transpose_lhs_hint = false} : vector<4096x32xf32>, vector<256x32xf32>, vector<4096x256xf32> -> vector<4096x256xf32>
    %get3A_941 = arith.constant 6 : index
    %get3A_942 = arith.constant 0 : index
    %get3A_943 = arith.constant 0 : index
    %get3A_944 = vector.load %arg3[%get3A_941, %get3A_942, %get3A_943] : memref<8x1x1024xf32, #tpu.memory_space<vmem>>, vector<1x1x128xf32>
    %get3A_945 = vector.shape_cast %get3A_944 : vector<1x1x128xf32> to vector<1x128xf32>
    %add3A_946 = vector.broadcast %get3A_6 : vector<4096x1xf32> to vector<4096x128xf32>
    %add3A_947 = vector.broadcast %get3A_945 : vector<1x128xf32> to vector<4096x128xf32>
    %add3A_948 = arith.addf %add3A_946, %add3A_947 : vector<4096x128xf32>
    %slice3A_949 = vector.extract_strided_slice %dot_general3A_901 {offsets = [0, 0], sizes = [4096, 128], strides = [1, 1]} : vector<4096x256xf32> to vector<4096x128xf32>
    %sub3A_950 = arith.subf %add3A_948, %slice3A_949 : vector<4096x128xf32>
    %lt3A_951 = arith.cmpf olt, %sub3A_950, %select_n3A_930 : vector<4096x128xf32>
    %select_n3A_952 = arith.select %lt3A_951, %sub3A_950, %select_n3A_930 : vector<4096x128xi1>, vector<4096x128xf32>
    %mul3A_953 = arith.constant 1.000000e+00 : f32
    %mul3A_954 = arith.constant 4.800000e+01 : f32
    %mul3A_955 = arith.mulf %mul3A_953, %mul3A_954 : f32
    %broadcast_in_dim3A_956 = vector.broadcast %mul3A_955 : f32 to vector<4096x128xf32>
    %select_n3A_957 = arith.select %lt3A_951, %broadcast_in_dim3A_956, %select_n3A_935 : vector<4096x128xi1>, vector<4096x128xf32>
    %get3A_958 = arith.constant 6 : index
    %get3A_959 = arith.constant 0 : index
    %get3A_960 = arith.constant 128 : index
    %get3A_961 = vector.load %arg3[%get3A_958, %get3A_959, %get3A_960] : memref<8x1x1024xf32, #tpu.memory_space<vmem>>, vector<1x1x128xf32>
    %get3A_962 = vector.shape_cast %get3A_961 : vector<1x1x128xf32> to vector<1x128xf32>
    %add3A_963 = vector.broadcast %get3A_6 : vector<4096x1xf32> to vector<4096x128xf32>
    %add3A_964 = vector.broadcast %get3A_962 : vector<1x128xf32> to vector<4096x128xf32>
    %add3A_965 = arith.addf %add3A_963, %add3A_964 : vector<4096x128xf32>
    %slice3A_966 = vector.extract_strided_slice %dot_general3A_901 {offsets = [0, 128], sizes = [4096, 128], strides = [1, 1]} : vector<4096x256xf32> to vector<4096x128xf32>
    %sub3A_967 = arith.subf %add3A_965, %slice3A_966 : vector<4096x128xf32>
    %lt3A_968 = arith.cmpf olt, %sub3A_967, %select_n3A_952 : vector<4096x128xf32>
    %select_n3A_969 = arith.select %lt3A_968, %sub3A_967, %select_n3A_952 : vector<4096x128xi1>, vector<4096x128xf32>
    %mul3A_970 = arith.constant 1.000000e+00 : f32
    %mul3A_971 = arith.constant 4.900000e+01 : f32
    %mul3A_972 = arith.mulf %mul3A_970, %mul3A_971 : f32
    %broadcast_in_dim3A_973 = vector.broadcast %mul3A_972 : f32 to vector<4096x128xf32>
    %select_n3A_974 = arith.select %lt3A_968, %broadcast_in_dim3A_973, %select_n3A_957 : vector<4096x128xi1>, vector<4096x128xf32>
    %get3A_975 = arith.constant 6656 : index
    %get3A_976 = arith.constant 0 : index
    %get3A_977 = vector.load %arg1[%get3A_975, %get3A_976] : memref<8192x32xf32, #tpu.memory_space<vmem>>, vector<256x32xf32>
    %dot_general3A_978 = arith.constant dense<0.000000e+00> : vector<4096x256xf32>
    %dot_general3A_979 = tpu.matmul %mul3A_3, %get3A_977, %dot_general3A_978 {dimension_numbers = #tpu.dot_dimension_numbers<[1], [1], [0], [0], [0, 0, 1, 0], [], []>, transpose_lhs_hint = false} : vector<4096x32xf32>, vector<256x32xf32>, vector<4096x256xf32> -> vector<4096x256xf32>
    %get3A_980 = arith.constant 6 : index
    %get3A_981 = arith.constant 0 : index
    %get3A_982 = arith.constant 256 : index
    %get3A_983 = vector.load %arg3[%get3A_980, %get3A_981, %get3A_982] : memref<8x1x1024xf32, #tpu.memory_space<vmem>>, vector<1x1x128xf32>
    %get3A_984 = vector.shape_cast %get3A_983 : vector<1x1x128xf32> to vector<1x128xf32>
    %add3A_985 = vector.broadcast %get3A_6 : vector<4096x1xf32> to vector<4096x128xf32>
    %add3A_986 = vector.broadcast %get3A_984 : vector<1x128xf32> to vector<4096x128xf32>
    %add3A_987 = arith.addf %add3A_985, %add3A_986 : vector<4096x128xf32>
    %slice3A_988 = vector.extract_strided_slice %dot_general3A_940 {offsets = [0, 0], sizes = [4096, 128], strides = [1, 1]} : vector<4096x256xf32> to vector<4096x128xf32>
    %sub3A_989 = arith.subf %add3A_987, %slice3A_988 : vector<4096x128xf32>
    %lt3A_990 = arith.cmpf olt, %sub3A_989, %select_n3A_969 : vector<4096x128xf32>
    %select_n3A_991 = arith.select %lt3A_990, %sub3A_989, %select_n3A_969 : vector<4096x128xi1>, vector<4096x128xf32>
    %mul3A_992 = arith.constant 1.000000e+00 : f32
    %mul3A_993 = arith.constant 5.000000e+01 : f32
    %mul3A_994 = arith.mulf %mul3A_992, %mul3A_993 : f32
    %broadcast_in_dim3A_995 = vector.broadcast %mul3A_994 : f32 to vector<4096x128xf32>
    %select_n3A_996 = arith.select %lt3A_990, %broadcast_in_dim3A_995, %select_n3A_974 : vector<4096x128xi1>, vector<4096x128xf32>
    %get3A_997 = arith.constant 6 : index
    %get3A_998 = arith.constant 0 : index
    %get3A_999 = arith.constant 384 : index
    %get3A_1000 = vector.load %arg3[%get3A_997, %get3A_998, %get3A_999] : memref<8x1x1024xf32, #tpu.memory_space<vmem>>, vector<1x1x128xf32>
    %get3A_1001 = vector.shape_cast %get3A_1000 : vector<1x1x128xf32> to vector<1x128xf32>
    %add3A_1002 = vector.broadcast %get3A_6 : vector<4096x1xf32> to vector<4096x128xf32>
    %add3A_1003 = vector.broadcast %get3A_1001 : vector<1x128xf32> to vector<4096x128xf32>
    %add3A_1004 = arith.addf %add3A_1002, %add3A_1003 : vector<4096x128xf32>
    %slice3A_1005 = vector.extract_strided_slice %dot_general3A_940 {offsets = [0, 128], sizes = [4096, 128], strides = [1, 1]} : vector<4096x256xf32> to vector<4096x128xf32>
    %sub3A_1006 = arith.subf %add3A_1004, %slice3A_1005 : vector<4096x128xf32>
    %lt3A_1007 = arith.cmpf olt, %sub3A_1006, %select_n3A_991 : vector<4096x128xf32>
    %select_n3A_1008 = arith.select %lt3A_1007, %sub3A_1006, %select_n3A_991 : vector<4096x128xi1>, vector<4096x128xf32>
    %mul3A_1009 = arith.constant 1.000000e+00 : f32
    %mul3A_1010 = arith.constant 5.100000e+01 : f32
    %mul3A_1011 = arith.mulf %mul3A_1009, %mul3A_1010 : f32
    %broadcast_in_dim3A_1012 = vector.broadcast %mul3A_1011 : f32 to vector<4096x128xf32>
    %select_n3A_1013 = arith.select %lt3A_1007, %broadcast_in_dim3A_1012, %select_n3A_996 : vector<4096x128xi1>, vector<4096x128xf32>
    %get3A_1014 = arith.constant 6912 : index
    %get3A_1015 = arith.constant 0 : index
    %get3A_1016 = vector.load %arg1[%get3A_1014, %get3A_1015] : memref<8192x32xf32, #tpu.memory_space<vmem>>, vector<256x32xf32>
    %dot_general3A_1017 = arith.constant dense<0.000000e+00> : vector<4096x256xf32>
    %dot_general3A_1018 = tpu.matmul %mul3A_3, %get3A_1016, %dot_general3A_1017 {dimension_numbers = #tpu.dot_dimension_numbers<[1], [1], [0], [0], [0, 0, 1, 0], [], []>, transpose_lhs_hint = false} : vector<4096x32xf32>, vector<256x32xf32>, vector<4096x256xf32> -> vector<4096x256xf32>
    %get3A_1019 = arith.constant 6 : index
    %get3A_1020 = arith.constant 0 : index
    %get3A_1021 = arith.constant 512 : index
    %get3A_1022 = vector.load %arg3[%get3A_1019, %get3A_1020, %get3A_1021] : memref<8x1x1024xf32, #tpu.memory_space<vmem>>, vector<1x1x128xf32>
    %get3A_1023 = vector.shape_cast %get3A_1022 : vector<1x1x128xf32> to vector<1x128xf32>
    %add3A_1024 = vector.broadcast %get3A_6 : vector<4096x1xf32> to vector<4096x128xf32>
    %add3A_1025 = vector.broadcast %get3A_1023 : vector<1x128xf32> to vector<4096x128xf32>
    %add3A_1026 = arith.addf %add3A_1024, %add3A_1025 : vector<4096x128xf32>
    %slice3A_1027 = vector.extract_strided_slice %dot_general3A_979 {offsets = [0, 0], sizes = [4096, 128], strides = [1, 1]} : vector<4096x256xf32> to vector<4096x128xf32>
    %sub3A_1028 = arith.subf %add3A_1026, %slice3A_1027 : vector<4096x128xf32>
    %lt3A_1029 = arith.cmpf olt, %sub3A_1028, %select_n3A_1008 : vector<4096x128xf32>
    %select_n3A_1030 = arith.select %lt3A_1029, %sub3A_1028, %select_n3A_1008 : vector<4096x128xi1>, vector<4096x128xf32>
    %mul3A_1031 = arith.constant 1.000000e+00 : f32
    %mul3A_1032 = arith.constant 5.200000e+01 : f32
    %mul3A_1033 = arith.mulf %mul3A_1031, %mul3A_1032 : f32
    %broadcast_in_dim3A_1034 = vector.broadcast %mul3A_1033 : f32 to vector<4096x128xf32>
    %select_n3A_1035 = arith.select %lt3A_1029, %broadcast_in_dim3A_1034, %select_n3A_1013 : vector<4096x128xi1>, vector<4096x128xf32>
    %get3A_1036 = arith.constant 6 : index
    %get3A_1037 = arith.constant 0 : index
    %get3A_1038 = arith.constant 640 : index
    %get3A_1039 = vector.load %arg3[%get3A_1036, %get3A_1037, %get3A_1038] : memref<8x1x1024xf32, #tpu.memory_space<vmem>>, vector<1x1x128xf32>
    %get3A_1040 = vector.shape_cast %get3A_1039 : vector<1x1x128xf32> to vector<1x128xf32>
    %add3A_1041 = vector.broadcast %get3A_6 : vector<4096x1xf32> to vector<4096x128xf32>
    %add3A_1042 = vector.broadcast %get3A_1040 : vector<1x128xf32> to vector<4096x128xf32>
    %add3A_1043 = arith.addf %add3A_1041, %add3A_1042 : vector<4096x128xf32>
    %slice3A_1044 = vector.extract_strided_slice %dot_general3A_979 {offsets = [0, 128], sizes = [4096, 128], strides = [1, 1]} : vector<4096x256xf32> to vector<4096x128xf32>
    %sub3A_1045 = arith.subf %add3A_1043, %slice3A_1044 : vector<4096x128xf32>
    %lt3A_1046 = arith.cmpf olt, %sub3A_1045, %select_n3A_1030 : vector<4096x128xf32>
    %select_n3A_1047 = arith.select %lt3A_1046, %sub3A_1045, %select_n3A_1030 : vector<4096x128xi1>, vector<4096x128xf32>
    %mul3A_1048 = arith.constant 1.000000e+00 : f32
    %mul3A_1049 = arith.constant 5.300000e+01 : f32
    %mul3A_1050 = arith.mulf %mul3A_1048, %mul3A_1049 : f32
    %broadcast_in_dim3A_1051 = vector.broadcast %mul3A_1050 : f32 to vector<4096x128xf32>
    %select_n3A_1052 = arith.select %lt3A_1046, %broadcast_in_dim3A_1051, %select_n3A_1035 : vector<4096x128xi1>, vector<4096x128xf32>
    %get3A_1053 = arith.constant 7168 : index
    %get3A_1054 = arith.constant 0 : index
    %get3A_1055 = vector.load %arg1[%get3A_1053, %get3A_1054] : memref<8192x32xf32, #tpu.memory_space<vmem>>, vector<256x32xf32>
    %dot_general3A_1056 = arith.constant dense<0.000000e+00> : vector<4096x256xf32>
    %dot_general3A_1057 = tpu.matmul %mul3A_3, %get3A_1055, %dot_general3A_1056 {dimension_numbers = #tpu.dot_dimension_numbers<[1], [1], [0], [0], [0, 0, 1, 0], [], []>, transpose_lhs_hint = false} : vector<4096x32xf32>, vector<256x32xf32>, vector<4096x256xf32> -> vector<4096x256xf32>
    %get3A_1058 = arith.constant 6 : index
    %get3A_1059 = arith.constant 0 : index
    %get3A_1060 = arith.constant 768 : index
    %get3A_1061 = vector.load %arg3[%get3A_1058, %get3A_1059, %get3A_1060] : memref<8x1x1024xf32, #tpu.memory_space<vmem>>, vector<1x1x128xf32>
    %get3A_1062 = vector.shape_cast %get3A_1061 : vector<1x1x128xf32> to vector<1x128xf32>
    %add3A_1063 = vector.broadcast %get3A_6 : vector<4096x1xf32> to vector<4096x128xf32>
    %add3A_1064 = vector.broadcast %get3A_1062 : vector<1x128xf32> to vector<4096x128xf32>
    %add3A_1065 = arith.addf %add3A_1063, %add3A_1064 : vector<4096x128xf32>
    %slice3A_1066 = vector.extract_strided_slice %dot_general3A_1018 {offsets = [0, 0], sizes = [4096, 128], strides = [1, 1]} : vector<4096x256xf32> to vector<4096x128xf32>
    %sub3A_1067 = arith.subf %add3A_1065, %slice3A_1066 : vector<4096x128xf32>
    %lt3A_1068 = arith.cmpf olt, %sub3A_1067, %select_n3A_1047 : vector<4096x128xf32>
    %select_n3A_1069 = arith.select %lt3A_1068, %sub3A_1067, %select_n3A_1047 : vector<4096x128xi1>, vector<4096x128xf32>
    %mul3A_1070 = arith.constant 1.000000e+00 : f32
    %mul3A_1071 = arith.constant 5.400000e+01 : f32
    %mul3A_1072 = arith.mulf %mul3A_1070, %mul3A_1071 : f32
    %broadcast_in_dim3A_1073 = vector.broadcast %mul3A_1072 : f32 to vector<4096x128xf32>
    %select_n3A_1074 = arith.select %lt3A_1068, %broadcast_in_dim3A_1073, %select_n3A_1052 : vector<4096x128xi1>, vector<4096x128xf32>
    %get3A_1075 = arith.constant 6 : index
    %get3A_1076 = arith.constant 0 : index
    %get3A_1077 = arith.constant 896 : index
    %get3A_1078 = vector.load %arg3[%get3A_1075, %get3A_1076, %get3A_1077] : memref<8x1x1024xf32, #tpu.memory_space<vmem>>, vector<1x1x128xf32>
    %get3A_1079 = vector.shape_cast %get3A_1078 : vector<1x1x128xf32> to vector<1x128xf32>
    %add3A_1080 = vector.broadcast %get3A_6 : vector<4096x1xf32> to vector<4096x128xf32>
    %add3A_1081 = vector.broadcast %get3A_1079 : vector<1x128xf32> to vector<4096x128xf32>
    %add3A_1082 = arith.addf %add3A_1080, %add3A_1081 : vector<4096x128xf32>
    %slice3A_1083 = vector.extract_strided_slice %dot_general3A_1018 {offsets = [0, 128], sizes = [4096, 128], strides = [1, 1]} : vector<4096x256xf32> to vector<4096x128xf32>
    %sub3A_1084 = arith.subf %add3A_1082, %slice3A_1083 : vector<4096x128xf32>
    %lt3A_1085 = arith.cmpf olt, %sub3A_1084, %select_n3A_1069 : vector<4096x128xf32>
    %select_n3A_1086 = arith.select %lt3A_1085, %sub3A_1084, %select_n3A_1069 : vector<4096x128xi1>, vector<4096x128xf32>
    %mul3A_1087 = arith.constant 1.000000e+00 : f32
    %mul3A_1088 = arith.constant 5.500000e+01 : f32
    %mul3A_1089 = arith.mulf %mul3A_1087, %mul3A_1088 : f32
    %broadcast_in_dim3A_1090 = vector.broadcast %mul3A_1089 : f32 to vector<4096x128xf32>
    %select_n3A_1091 = arith.select %lt3A_1085, %broadcast_in_dim3A_1090, %select_n3A_1074 : vector<4096x128xi1>, vector<4096x128xf32>
    %get3A_1092 = arith.constant 7424 : index
    %get3A_1093 = arith.constant 0 : index
    %get3A_1094 = vector.load %arg1[%get3A_1092, %get3A_1093] : memref<8192x32xf32, #tpu.memory_space<vmem>>, vector<256x32xf32>
    %dot_general3A_1095 = arith.constant dense<0.000000e+00> : vector<4096x256xf32>
    %dot_general3A_1096 = tpu.matmul %mul3A_3, %get3A_1094, %dot_general3A_1095 {dimension_numbers = #tpu.dot_dimension_numbers<[1], [1], [0], [0], [0, 0, 1, 0], [], []>, transpose_lhs_hint = false} : vector<4096x32xf32>, vector<256x32xf32>, vector<4096x256xf32> -> vector<4096x256xf32>
    %get3A_1097 = arith.constant 7 : index
    %get3A_1098 = arith.constant 0 : index
    %get3A_1099 = arith.constant 0 : index
    %get3A_1100 = vector.load %arg3[%get3A_1097, %get3A_1098, %get3A_1099] : memref<8x1x1024xf32, #tpu.memory_space<vmem>>, vector<1x1x128xf32>
    %get3A_1101 = vector.shape_cast %get3A_1100 : vector<1x1x128xf32> to vector<1x128xf32>
    %add3A_1102 = vector.broadcast %get3A_6 : vector<4096x1xf32> to vector<4096x128xf32>
    %add3A_1103 = vector.broadcast %get3A_1101 : vector<1x128xf32> to vector<4096x128xf32>
    %add3A_1104 = arith.addf %add3A_1102, %add3A_1103 : vector<4096x128xf32>
    %slice3A_1105 = vector.extract_strided_slice %dot_general3A_1057 {offsets = [0, 0], sizes = [4096, 128], strides = [1, 1]} : vector<4096x256xf32> to vector<4096x128xf32>
    %sub3A_1106 = arith.subf %add3A_1104, %slice3A_1105 : vector<4096x128xf32>
    %lt3A_1107 = arith.cmpf olt, %sub3A_1106, %select_n3A_1086 : vector<4096x128xf32>
    %select_n3A_1108 = arith.select %lt3A_1107, %sub3A_1106, %select_n3A_1086 : vector<4096x128xi1>, vector<4096x128xf32>
    %mul3A_1109 = arith.constant 1.000000e+00 : f32
    %mul3A_1110 = arith.constant 5.600000e+01 : f32
    %mul3A_1111 = arith.mulf %mul3A_1109, %mul3A_1110 : f32
    %broadcast_in_dim3A_1112 = vector.broadcast %mul3A_1111 : f32 to vector<4096x128xf32>
    %select_n3A_1113 = arith.select %lt3A_1107, %broadcast_in_dim3A_1112, %select_n3A_1091 : vector<4096x128xi1>, vector<4096x128xf32>
    %get3A_1114 = arith.constant 7 : index
    %get3A_1115 = arith.constant 0 : index
    %get3A_1116 = arith.constant 128 : index
    %get3A_1117 = vector.load %arg3[%get3A_1114, %get3A_1115, %get3A_1116] : memref<8x1x1024xf32, #tpu.memory_space<vmem>>, vector<1x1x128xf32>
    %get3A_1118 = vector.shape_cast %get3A_1117 : vector<1x1x128xf32> to vector<1x128xf32>
    %add3A_1119 = vector.broadcast %get3A_6 : vector<4096x1xf32> to vector<4096x128xf32>
    %add3A_1120 = vector.broadcast %get3A_1118 : vector<1x128xf32> to vector<4096x128xf32>
    %add3A_1121 = arith.addf %add3A_1119, %add3A_1120 : vector<4096x128xf32>
    %slice3A_1122 = vector.extract_strided_slice %dot_general3A_1057 {offsets = [0, 128], sizes = [4096, 128], strides = [1, 1]} : vector<4096x256xf32> to vector<4096x128xf32>
    %sub3A_1123 = arith.subf %add3A_1121, %slice3A_1122 : vector<4096x128xf32>
    %lt3A_1124 = arith.cmpf olt, %sub3A_1123, %select_n3A_1108 : vector<4096x128xf32>
    %select_n3A_1125 = arith.select %lt3A_1124, %sub3A_1123, %select_n3A_1108 : vector<4096x128xi1>, vector<4096x128xf32>
    %mul3A_1126 = arith.constant 1.000000e+00 : f32
    %mul3A_1127 = arith.constant 5.700000e+01 : f32
    %mul3A_1128 = arith.mulf %mul3A_1126, %mul3A_1127 : f32
    %broadcast_in_dim3A_1129 = vector.broadcast %mul3A_1128 : f32 to vector<4096x128xf32>
    %select_n3A_1130 = arith.select %lt3A_1124, %broadcast_in_dim3A_1129, %select_n3A_1113 : vector<4096x128xi1>, vector<4096x128xf32>
    %get3A_1131 = arith.constant 7680 : index
    %get3A_1132 = arith.constant 0 : index
    %get3A_1133 = vector.load %arg1[%get3A_1131, %get3A_1132] : memref<8192x32xf32, #tpu.memory_space<vmem>>, vector<256x32xf32>
    %dot_general3A_1134 = arith.constant dense<0.000000e+00> : vector<4096x256xf32>
    %dot_general3A_1135 = tpu.matmul %mul3A_3, %get3A_1133, %dot_general3A_1134 {dimension_numbers = #tpu.dot_dimension_numbers<[1], [1], [0], [0], [0, 0, 1, 0], [], []>, transpose_lhs_hint = false} : vector<4096x32xf32>, vector<256x32xf32>, vector<4096x256xf32> -> vector<4096x256xf32>
    %get3A_1136 = arith.constant 7 : index
    %get3A_1137 = arith.constant 0 : index
    %get3A_1138 = arith.constant 256 : index
    %get3A_1139 = vector.load %arg3[%get3A_1136, %get3A_1137, %get3A_1138] : memref<8x1x1024xf32, #tpu.memory_space<vmem>>, vector<1x1x128xf32>
    %get3A_1140 = vector.shape_cast %get3A_1139 : vector<1x1x128xf32> to vector<1x128xf32>
    %add3A_1141 = vector.broadcast %get3A_6 : vector<4096x1xf32> to vector<4096x128xf32>
    %add3A_1142 = vector.broadcast %get3A_1140 : vector<1x128xf32> to vector<4096x128xf32>
    %add3A_1143 = arith.addf %add3A_1141, %add3A_1142 : vector<4096x128xf32>
    %slice3A_1144 = vector.extract_strided_slice %dot_general3A_1096 {offsets = [0, 0], sizes = [4096, 128], strides = [1, 1]} : vector<4096x256xf32> to vector<4096x128xf32>
    %sub3A_1145 = arith.subf %add3A_1143, %slice3A_1144 : vector<4096x128xf32>
    %lt3A_1146 = arith.cmpf olt, %sub3A_1145, %select_n3A_1125 : vector<4096x128xf32>
    %select_n3A_1147 = arith.select %lt3A_1146, %sub3A_1145, %select_n3A_1125 : vector<4096x128xi1>, vector<4096x128xf32>
    %mul3A_1148 = arith.constant 1.000000e+00 : f32
    %mul3A_1149 = arith.constant 5.800000e+01 : f32
    %mul3A_1150 = arith.mulf %mul3A_1148, %mul3A_1149 : f32
    %broadcast_in_dim3A_1151 = vector.broadcast %mul3A_1150 : f32 to vector<4096x128xf32>
    %select_n3A_1152 = arith.select %lt3A_1146, %broadcast_in_dim3A_1151, %select_n3A_1130 : vector<4096x128xi1>, vector<4096x128xf32>
    %get3A_1153 = arith.constant 7 : index
    %get3A_1154 = arith.constant 0 : index
    %get3A_1155 = arith.constant 384 : index
    %get3A_1156 = vector.load %arg3[%get3A_1153, %get3A_1154, %get3A_1155] : memref<8x1x1024xf32, #tpu.memory_space<vmem>>, vector<1x1x128xf32>
    %get3A_1157 = vector.shape_cast %get3A_1156 : vector<1x1x128xf32> to vector<1x128xf32>
    %add3A_1158 = vector.broadcast %get3A_6 : vector<4096x1xf32> to vector<4096x128xf32>
    %add3A_1159 = vector.broadcast %get3A_1157 : vector<1x128xf32> to vector<4096x128xf32>
    %add3A_1160 = arith.addf %add3A_1158, %add3A_1159 : vector<4096x128xf32>
    %slice3A_1161 = vector.extract_strided_slice %dot_general3A_1096 {offsets = [0, 128], sizes = [4096, 128], strides = [1, 1]} : vector<4096x256xf32> to vector<4096x128xf32>
    %sub3A_1162 = arith.subf %add3A_1160, %slice3A_1161 : vector<4096x128xf32>
    %lt3A_1163 = arith.cmpf olt, %sub3A_1162, %select_n3A_1147 : vector<4096x128xf32>
    %select_n3A_1164 = arith.select %lt3A_1163, %sub3A_1162, %select_n3A_1147 : vector<4096x128xi1>, vector<4096x128xf32>
    %mul3A_1165 = arith.constant 1.000000e+00 : f32
    %mul3A_1166 = arith.constant 5.900000e+01 : f32
    %mul3A_1167 = arith.mulf %mul3A_1165, %mul3A_1166 : f32
    %broadcast_in_dim3A_1168 = vector.broadcast %mul3A_1167 : f32 to vector<4096x128xf32>
    %select_n3A_1169 = arith.select %lt3A_1163, %broadcast_in_dim3A_1168, %select_n3A_1152 : vector<4096x128xi1>, vector<4096x128xf32>
    %get3A_1170 = arith.constant 7936 : index
    %get3A_1171 = arith.constant 0 : index
    %get3A_1172 = vector.load %arg1[%get3A_1170, %get3A_1171] : memref<8192x32xf32, #tpu.memory_space<vmem>>, vector<256x32xf32>
    %dot_general3A_1173 = arith.constant dense<0.000000e+00> : vector<4096x256xf32>
    %dot_general3A_1174 = tpu.matmul %mul3A_3, %get3A_1172, %dot_general3A_1173 {dimension_numbers = #tpu.dot_dimension_numbers<[1], [1], [0], [0], [0, 0, 1, 0], [], []>, transpose_lhs_hint = false} : vector<4096x32xf32>, vector<256x32xf32>, vector<4096x256xf32> -> vector<4096x256xf32>
    %get3A_1175 = arith.constant 7 : index
    %get3A_1176 = arith.constant 0 : index
    %get3A_1177 = arith.constant 512 : index
    %get3A_1178 = vector.load %arg3[%get3A_1175, %get3A_1176, %get3A_1177] : memref<8x1x1024xf32, #tpu.memory_space<vmem>>, vector<1x1x128xf32>
    %get3A_1179 = vector.shape_cast %get3A_1178 : vector<1x1x128xf32> to vector<1x128xf32>
    %add3A_1180 = vector.broadcast %get3A_6 : vector<4096x1xf32> to vector<4096x128xf32>
    %add3A_1181 = vector.broadcast %get3A_1179 : vector<1x128xf32> to vector<4096x128xf32>
    %add3A_1182 = arith.addf %add3A_1180, %add3A_1181 : vector<4096x128xf32>
    %slice3A_1183 = vector.extract_strided_slice %dot_general3A_1135 {offsets = [0, 0], sizes = [4096, 128], strides = [1, 1]} : vector<4096x256xf32> to vector<4096x128xf32>
    %sub3A_1184 = arith.subf %add3A_1182, %slice3A_1183 : vector<4096x128xf32>
    %lt3A_1185 = arith.cmpf olt, %sub3A_1184, %select_n3A_1164 : vector<4096x128xf32>
    %select_n3A_1186 = arith.select %lt3A_1185, %sub3A_1184, %select_n3A_1164 : vector<4096x128xi1>, vector<4096x128xf32>
    %mul3A_1187 = arith.constant 1.000000e+00 : f32
    %mul3A_1188 = arith.constant 6.000000e+01 : f32
    %mul3A_1189 = arith.mulf %mul3A_1187, %mul3A_1188 : f32
    %broadcast_in_dim3A_1190 = vector.broadcast %mul3A_1189 : f32 to vector<4096x128xf32>
    %select_n3A_1191 = arith.select %lt3A_1185, %broadcast_in_dim3A_1190, %select_n3A_1169 : vector<4096x128xi1>, vector<4096x128xf32>
    %get3A_1192 = arith.constant 7 : index
    %get3A_1193 = arith.constant 0 : index
    %get3A_1194 = arith.constant 640 : index
    %get3A_1195 = vector.load %arg3[%get3A_1192, %get3A_1193, %get3A_1194] : memref<8x1x1024xf32, #tpu.memory_space<vmem>>, vector<1x1x128xf32>
    %get3A_1196 = vector.shape_cast %get3A_1195 : vector<1x1x128xf32> to vector<1x128xf32>
    %add3A_1197 = vector.broadcast %get3A_6 : vector<4096x1xf32> to vector<4096x128xf32>
    %add3A_1198 = vector.broadcast %get3A_1196 : vector<1x128xf32> to vector<4096x128xf32>
    %add3A_1199 = arith.addf %add3A_1197, %add3A_1198 : vector<4096x128xf32>
    %slice3A_1200 = vector.extract_strided_slice %dot_general3A_1135 {offsets = [0, 128], sizes = [4096, 128], strides = [1, 1]} : vector<4096x256xf32> to vector<4096x128xf32>
    %sub3A_1201 = arith.subf %add3A_1199, %slice3A_1200 : vector<4096x128xf32>
    %lt3A_1202 = arith.cmpf olt, %sub3A_1201, %select_n3A_1186 : vector<4096x128xf32>
    %select_n3A_1203 = arith.select %lt3A_1202, %sub3A_1201, %select_n3A_1186 : vector<4096x128xi1>, vector<4096x128xf32>
    %mul3A_1204 = arith.constant 1.000000e+00 : f32
    %mul3A_1205 = arith.constant 6.100000e+01 : f32
    %mul3A_1206 = arith.mulf %mul3A_1204, %mul3A_1205 : f32
    %broadcast_in_dim3A_1207 = vector.broadcast %mul3A_1206 : f32 to vector<4096x128xf32>
    %select_n3A_1208 = arith.select %lt3A_1202, %broadcast_in_dim3A_1207, %select_n3A_1191 : vector<4096x128xi1>, vector<4096x128xf32>
    %get3A_1209 = arith.constant 7 : index
    %get3A_1210 = arith.constant 0 : index
    %get3A_1211 = arith.constant 768 : index
    %get3A_1212 = vector.load %arg3[%get3A_1209, %get3A_1210, %get3A_1211] : memref<8x1x1024xf32, #tpu.memory_space<vmem>>, vector<1x1x128xf32>
    %get3A_1213 = vector.shape_cast %get3A_1212 : vector<1x1x128xf32> to vector<1x128xf32>
    %add3A_1214 = vector.broadcast %get3A_6 : vector<4096x1xf32> to vector<4096x128xf32>
    %add3A_1215 = vector.broadcast %get3A_1213 : vector<1x128xf32> to vector<4096x128xf32>
    %add3A_1216 = arith.addf %add3A_1214, %add3A_1215 : vector<4096x128xf32>
    %slice3A_1217 = vector.extract_strided_slice %dot_general3A_1174 {offsets = [0, 0], sizes = [4096, 128], strides = [1, 1]} : vector<4096x256xf32> to vector<4096x128xf32>
    %sub3A_1218 = arith.subf %add3A_1216, %slice3A_1217 : vector<4096x128xf32>
    %lt3A_1219 = arith.cmpf olt, %sub3A_1218, %select_n3A_1203 : vector<4096x128xf32>
    %select_n3A_1220 = arith.select %lt3A_1219, %sub3A_1218, %select_n3A_1203 : vector<4096x128xi1>, vector<4096x128xf32>
    %mul3A_1221 = arith.constant 1.000000e+00 : f32
    %mul3A_1222 = arith.constant 6.200000e+01 : f32
    %mul3A_1223 = arith.mulf %mul3A_1221, %mul3A_1222 : f32
    %broadcast_in_dim3A_1224 = vector.broadcast %mul3A_1223 : f32 to vector<4096x128xf32>
    %select_n3A_1225 = arith.select %lt3A_1219, %broadcast_in_dim3A_1224, %select_n3A_1208 : vector<4096x128xi1>, vector<4096x128xf32>
    %get3A_1226 = arith.constant 7 : index
    %get3A_1227 = arith.constant 0 : index
    %get3A_1228 = arith.constant 896 : index
    %get3A_1229 = vector.load %arg3[%get3A_1226, %get3A_1227, %get3A_1228] : memref<8x1x1024xf32, #tpu.memory_space<vmem>>, vector<1x1x128xf32>
    %get3A_1230 = vector.shape_cast %get3A_1229 : vector<1x1x128xf32> to vector<1x128xf32>
    %add3A_1231 = vector.broadcast %get3A_6 : vector<4096x1xf32> to vector<4096x128xf32>
    %add3A_1232 = vector.broadcast %get3A_1230 : vector<1x128xf32> to vector<4096x128xf32>
    %add3A_1233 = arith.addf %add3A_1231, %add3A_1232 : vector<4096x128xf32>
    %slice3A_1234 = vector.extract_strided_slice %dot_general3A_1174 {offsets = [0, 128], sizes = [4096, 128], strides = [1, 1]} : vector<4096x256xf32> to vector<4096x128xf32>
    %sub3A_1235 = arith.subf %add3A_1233, %slice3A_1234 : vector<4096x128xf32>
    %lt3A_1236 = arith.cmpf olt, %sub3A_1235, %select_n3A_1220 : vector<4096x128xf32>
    %select_n3A_1237 = arith.select %lt3A_1236, %sub3A_1235, %select_n3A_1220 : vector<4096x128xi1>, vector<4096x128xf32>
    %mul3A_1238 = arith.constant 1.000000e+00 : f32
    %mul3A_1239 = arith.constant 6.300000e+01 : f32
    %mul3A_1240 = arith.mulf %mul3A_1238, %mul3A_1239 : f32
    %broadcast_in_dim3A_1241 = vector.broadcast %mul3A_1240 : f32 to vector<4096x128xf32>
    %select_n3A_1242 = arith.select %lt3A_1236, %broadcast_in_dim3A_1241, %select_n3A_1225 : vector<4096x128xi1>, vector<4096x128xf32>
    %reduce_min3A = arith.constant dense<0x7F800000> : vector<4096xf32>
    %reduce_min3A_1243 = vector.multi_reduction <minimumf>, %select_n3A_1237, %reduce_min3A [1] : vector<4096x128xf32> to vector<4096xf32>
    %broadcast_in_dim3A_1244 = vector.shape_cast %reduce_min3A_1243 : vector<4096xf32> to vector<4096x1xf32>
    %iota3A = tpu.iota {dimensions = array<i32: 1>} : vector<4096x128xi32>
    %convert_element_type3A = arith.sitofp %iota3A : vector<4096x128xi32> to vector<4096x128xf32>
    %mul3A_1245 = arith.constant 1.280000e+02 : f32
    %mul3A_1246 = vector.broadcast %mul3A_1245 : f32 to vector<4096x128xf32>
    %mul3A_1247 = arith.mulf %select_n3A_1242, %mul3A_1246 : vector<4096x128xf32>
    %add3A_1248 = arith.addf %mul3A_1247, %convert_element_type3A : vector<4096x128xf32>
    %eq3A = vector.broadcast %broadcast_in_dim3A_1244 : vector<4096x1xf32> to vector<4096x128xf32>
    %eq3A_1249 = arith.cmpf oeq, %select_n3A_1237, %eq3A : vector<4096x128xf32>
    %jit3A = arith.constant 3.000000e+38 : f32
    %broadcast_in_dim3A_1250 = vector.broadcast %jit3A : f32 to vector<4096x128xf32>
    %select_n3A_1251 = arith.select %eq3A_1249, %add3A_1248, %broadcast_in_dim3A_1250 : vector<4096x128xi1>, vector<4096x128xf32>
    %reduce_min3A_1252 = arith.constant dense<0x7F800000> : vector<4096xf32>
    %reduce_min3A_1253 = vector.multi_reduction <minimumf>, %select_n3A_1251, %reduce_min3A_1252 [1] : vector<4096x128xf32> to vector<4096xf32>
    %broadcast_in_dim3A_1254 = vector.shape_cast %reduce_min3A_1253 : vector<4096xf32> to vector<4096x1xf32>
    %convert_element_type3A_1255 = arith.fptosi %broadcast_in_dim3A_1254 : vector<4096x1xf32> to vector<4096x1xi32>
    %swap3A = arith.constant 0 : index
    %swap3A_1256 = arith.constant 0 : index
    %swap3A_1257 = vector.load %arg4[%swap3A, %swap3A_1256] : memref<4096x1xi32, #tpu.memory_space<vmem>>, vector<4096x1xi32>
    tpu.vector_store %arg4[%swap3A, %swap3A_1256], %convert_element_type3A_1255 {strides = array<i32>} : memref<4096x1xi32, #tpu.memory_space<vmem>>, vector<4096x1xi32>,
    %reduce_sum3A = vector.shape_cast %broadcast_in_dim3A_1244 : vector<4096x1xf32> to vector<1x4096x1xf32>
    %reduce_sum3A_1258 = arith.constant dense<0.000000e+00> : vector<1xf32>
    %reduce_sum3A_1259 = vector.multi_reduction <add>, %reduce_sum3A, %reduce_sum3A_1258 [1, 2] : vector<1x4096x1xf32> to vector<1xf32>
    %reduce_sum3A_1260 = vector.shape_cast %reduce_sum3A_1259 : vector<1xf32> to vector<1x1x1xf32>
    %reduce_sum3A_1261 = vector.extract %reduce_sum3A_1260[0, 0, 0] : f32 from vector<1x1x1xf32>
    %mul3A_1262 = arith.constant 7.62939453E-6 : f32
    %mul3A_1263 = arith.mulf %reduce_sum3A_1261, %mul3A_1262 : f32
    %mul3A_1264 = arith.constant 2.500000e-01 : f32
    %mul3A_1265 = arith.mulf %mul3A_1264, %mul3A_1263 : f32
    %swap3A_1266 = arith.constant 0 : index
    %swap3A_1267 = arith.constant 0 : index
    %swap3A_1268 = memref.load %arg5[%swap3A_1266, %swap3A_1267] : memref<1x1xf32, #tpu.memory_space<smem>>
    memref.store %mul3A_1265, %arg5[%swap3A_1266, %swap3A_1267] : memref<1x1xf32, #tpu.memory_space<smem>>
    return
  }
}

</mosaic_0001>

<sc_bundles>
// kernel: kernel.4.cloned.1.call-start
scs
__scs_entry_jumppad:
0x0: {  	(pc) =	sbr.rel $0x88, $3  }
0x1: {  	(tag) =	ssettag $0x0;
	lr =	simm.s32 $0x1  }
0x2: {  	[smem:$0x3F9F] =	sst lr;
	_ =	strace $0xD0000000  }
0x3: {  	_ = 	snop  }
0x4: {  	_ = 	snop  }
0x5: {  	_ = 	snop  }
0x6: {  	_ = 	snop  }
0x7: {  	_ = 	snop  }
__scs_overlays_trampoline_lowered:
0x8: {  	[smem:$0x3FAE] =	sst s0  }
0x9: {  	[smem:$0x3FAF] =	sst s1  }
0xa: {  	[smem:$0x3FB0] =	sst s2  }
0xb: {  	[smem:$0x3FB1] =	sst s3  }
0xc: {  	[smem:$0x3FB2] =	sst s4  }
0xd: {  	[smem:$0x3FB3] =	sst s5  }
0xe: {  	[smem:$0x3FB4] =	sst s6  }
0xf: {  	[smem:$0x3FB5] =	sst s7  }
0x10: {  	[smem:$0x3FB6] =	sst s8  }
0x11: {  	[smem:$0x3FB7] =	sst s9;
	s0 =	simm.s32 @!p0 $0x0  }
0x12: {  	s1 =	sld [smem:$0x3F9D];
	s0 =	simm.s32 @p0 $0x1  }
0x13: {  	[smem:$0x3FB8] =	sst s0;
	s0 =	simm.s32 @!p1 $0x0  }
0x14: {  	s2 =	sld [smem:$0x3F9C];
	s0 =	simm.s32 @p1 $0x1  }
0x15: {  	[smem:$0x3FB9] =	sst s0;
	s0 =	simm.s32 @!p2 $0x0  }
0x16: {  	s3 =	sld [smem:$0x3FDB];
	s0 =	simm.s32 @p2 $0x1  }
0x17: {  	s4 =	simm.s32 $0x1BF5;
	[smem:$0x3FBB] =	sst s0  }
0x18: {  	s0 =	sld [smem:$0x3F9E];
	_ =	swait.ge [sflag:s4], $0x0  }
0x19: {  	s7 =	sld [smem:$0x3F9F]  }
0x1a: {  	s8 =	sadd.s32 $0xFFFFE003, lr  }
0x1b: {  	s9 =	sadd.s32 $0xFFFFFEF7, lr;
	s5 =	simm.s32 $0xFFFFFFFF;
	p2 =	slt.u32 s8, $0xFFFFF086  }
0x1c: {  	p1 =	slt.u32 s9, $0xF7A;
	s5 =	simm.s32 @!p2 $0x0  }
0x1d: {  	s5 =	simm.s32 @p1 $0x1;
	p0 =	seq.s32 s7, s2  }
0x1e: {  	s7 =	smul.u32 @!p0 $0xF7A, s2;
	p2 =	seq.s32 @!p0 s5, $0x0  }
0x1f: {  	s9 =	smul.u32 $0xF7A, s1;
	s8 =	simm.s32 @!p0 $0x1BF5;
	p2 =	por !p2, p0  }
0x20: {  	[sflag:s8] =	ssyncset.s32 @!p0 $0xFFFFF086;
	s6 =	sadd.s32 @!p0 s3, s7;
	s7 =	simm.s32 @!p0 $0x108  }
0x21: {  	s3 =	sadd.s32 s3, s9;
	s6 =	sadd.s32 @!p0 $0x88, s6;
	s7 =	simm.s32 @p2 $0x1082  }
0x22: {  	[simem:s7], [sflag:s8] =	dma.local @!p0 [hbm:s6], $0xF7A  }
0x23: {  	s9 =	sor.u32 $0xD0000000, s2;
	s6 =	simm.s32 $0x108;
	_ =	swait.ge @!p0 [sflag:s8], $0x0  }
0x24: {  	s3 =	sadd.s32 $0x88, s3;
	s6 =	simm.s32 @!p1 $0x1082;
	[sflag:s4] =	ssyncset.s32 $0xFFFFF086  }
0x25: {  	[simem:s6], [sflag:s4] =	dma.local [hbm:s3], $0xF7A  }
0x26: {  	[smem:$0x3F9F] =	sst s1;
	(tag) =	ssettag s2;
	_ =	strace s9  }
0x27: {  	s1 =	sld [smem:$0x3FAF]  }
0x28: {  	s2 =	sld [smem:$0x3FB0]  }
0x29: {  	s4 =	sld [smem:$0x3FB2]  }
0x2a: {  	p0 =	seq.s32 s5, $0x0;
	s5 =	sld [smem:$0x3FB3]  }
0x2b: {  	s6 =	sld [smem:$0x3FB4]  }
0x2c: {  	s7 =	sld [smem:$0x3FB5]  }
0x2d: {  	s3 =	simm.s32 $0x108;
	s8 =	sld [smem:$0x3FB6]  }
0x2e: {  	s3 =	simm.s32 @!p0 $0x1082;
	s9 =	sld [smem:$0x3FB7]  }
0x2f: {  	lr =	sadd.s32 s0, s3;
	s0 =	sld [smem:$0x3FAE]  }
0x30: {  	s3 =	sld [smem:$0x3FB1]  }
0x31: {  	[smem:$0x3FBA] =	sst s10  }
0x32: {  	s10 =	sld [smem:$0x3FB8];
	_ =	sdelay $0x3  }
0x33: {  	p0 =	seq.s32 s10, $0x1;
	s10 =	sld [smem:$0x3FBA];
	_ =	sdelay $0x3  }
0x34: {  	[smem:$0x3FBA] =	sst s10  }
0x35: {  	s10 =	sld [smem:$0x3FB9];
	_ =	sdelay $0x3  }
0x36: {  	p1 =	seq.s32 s10, $0x1;
	s10 =	sld [smem:$0x3FBA];
	_ =	sdelay $0x3  }
0x37: {  	[smem:$0x3FBA] =	sst s10  }
0x38: {  	s10 =	sld [smem:$0x3FBB]  }
0x39: {  	_ = 	snop;
	(pc) =	sbr.ind lr, $3  }
0x3a: {  	_ = 	snop  }
0x3b: {  	_ = 	snop  }
0x3c: {  	p2 =	seq.s32 s10, $0x1;
	s10 =	sld [smem:$0x3FBA]  }
0x3d: {  	_ =	shalt  }
0x3e: {  	_ =	shalt  }
0x3f: {  	_ =	shalt  }
0x40: {  	_ =	shalt  }
0x41: {  	_ =	shalt  }
0x42: {  	_ =	shalt  }
0x43: {  	_ =	shalt  }
0x44: {  	_ =	shalt  }
0x45: {  	_ =	shalt  }
0x46: {  	_ =	shalt  }
0x47: {  	_ =	shalt  }
0x48: {  	_ =	shalt  }
0x49: {  	_ =	shalt  }
0x4a: {  	_ =	shalt  }
0x4b: {  	_ =	shalt  }
0x4c: {  	_ =	shalt  }
0x4d: {  	_ =	shalt  }
0x4e: {  	_ =	shalt  }
0x4f: {  	_ =	shalt  }
0x50: {  	_ =	shalt  }
0x51: {  	_ =	shalt  }
0x52: {  	_ =	shalt  }
0x53: {  	_ =	shalt  }
0x54: {  	_ =	shalt  }
0x55: {  	_ =	shalt  }
0x56: {  	_ =	shalt  }
0x57: {  	_ =	shalt  }
0x58: {  	_ =	shalt  }
0x59: {  	_ =	shalt  }
0x5a: {  	_ =	shalt  }
0x5b: {  	_ =	shalt  }
0x5c: {  	_ =	shalt  }
0x5d: {  	_ =	shalt  }
0x5e: {  	_ =	shalt  }
0x5f: {  	_ =	shalt  }
0x60: {  	_ =	shalt  }
0x61: {  	_ =	shalt  }
0x62: {  	_ =	shalt  }
0x63: {  	_ =	shalt  }
0x64: {  	_ =	shalt  }
0x65: {  	_ =	shalt  }
0x66: {  	_ =	shalt  }
0x67: {  	_ =	shalt  }
0x68: {  	_ =	shalt  }
0x69: {  	_ =	shalt  }
0x6a: {  	_ =	shalt  }
0x6b: {  	_ =	shalt  }
0x6c: {  	_ =	shalt  }
0x6d: {  	_ =	shalt  }
0x6e: {  	_ =	shalt  }
0x6f: {  	_ =	shalt  }
0x70: {  	_ =	shalt  }
0x71: {  	_ =	shalt  }
0x72: {  	_ =	shalt  }
0x73: {  	_ =	shalt  }
0x74: {  	_ =	shalt  }
0x75: {  	_ =	shalt  }
0x76: {  	_ =	shalt  }
0x77: {  	_ =	shalt  }
0x78: {  	_ =	shalt  }
0x79: {  	_ =	shalt  }
0x7a: {  	_ =	shalt  }
0x7b: {  	_ =	shalt  }
0x7c: {  	_ =	shalt  }
0x7d: {  	_ =	shalt  }
0x7e: {  	_ =	shalt  }
0x7f: {  	_ =	shalt  }
0x80: {  	_ =	shalt  }
0x81: {  	_ =	shalt  }
0x82: {  	_ =	shalt  }
0x83: {  	_ =	shalt  }
0x84: {  	_ =	shalt  }
0x85: {  	_ =	shalt  }
0x86: {  	_ =	shalt  }
0x87: {  	_ =	shalt  }
.Lfunc_end0:
.L_simem_size_0:
called_computation_lowered:
.L_overlay_start_0:
0x88: {  	s0 =	sld [smem:$0x3FD9]  }
0x89: {  	s1 =	sld [smem:$0x3FFE];
	_ =	sdelay $0x3  }
0x8a: {  	s0 =	sadd.s32 s1, s0  }
0x8b: {  	[smem:$0x3FC6] =	sst s0  }
0x8c: {  	_ = 	snop  }
0x8d: {  	s0 =	sld [smem:$0x3FD0];
	_ =	sdelay $0x2  }
0x8e: {  	s13 =	simm.s32 $0xA;
	s2 =	simm.s32 $0x10  }
0x8f: {  	[smem:s2], [sflag:s13] =	dma.local [hbm:s0], $0x1  }
0x90: {  	_ =	swait.eq [sflag:s13], $0x1  }
0x91: {  	[sflag:s13] =	ssyncset.done $0x0  }
0x92: {  	s14 =	sld [smem:$0x10];
	[sflag:s13] =	ssyncadd.s32 $0xFFFFFFFF  }
0x93: {  	s15 =	sld [smem:$0x13];
	(tm) =	ssettm $0x1  }
0x94: {  	s16 =	sld [smem:$0x3FFB];
	_ =	sdelay $0x3  }
0x95: {  	_ =	strace s16  }
0x96: {  	s2 =	sld [smem:$0x3FFC];
	_ =	sdelay $0x3  }
0x97: {  	_ =	strace s2  }
0x98: {  	s2 =	sld [smem:$0x3FFD];
	_ =	sdelay $0x3  }
0x99: {  	_ =	strace s2  }
0x9a: {  	_ =	strace $0x8FFFFFFF  }
0x9b: {  	s17 =	sld [smem:$0x3FDB];
	_ =	sdelay $0x1  }
0x9c: {  	s3 =	simm.s32 $_scs_section_size  }
0x9d: {  	s4 =	simm.s32 $_size__tile_overlayer_lowered;
	s5 =	simm.s32 $_tile_overlayer_lowered  }
0x9e: {  	s20 =	simm.s32 $0x1BFF;
	s19 =	sshll.u32 s5, $0x1;
	s2 =	sadd.s32 s3, s17  }
0x9f: {  	s6 =	simm.s32 $0x0;
	s18 =	sshll.u32 s4, $0x1;
	s4 =	sadd.s32 s19, s2  }
0xa0: {  	[timem:s6], [sflag:s20] =	dma.local [hbm:s4], s18  }
0xa1: {  	_ =	swait.ge [sflag:s20], s18  }
0xa2: {  	s3 =	ssub.s32 $0x0, s18;
	[sflag:s20] =	ssyncset.done $0x0  }
0xa3: {  	[sflag:s20] =	ssyncadd.s32 s3;
	_ =	sdelay $0x1  }
0xa4: {  	s21 =	simm.s32 $0x1B8B  }
0xa5: {  	_ =	swait.ge [sflag:s21], $0x1  }
0xa6: {  	[sflag:s21] =	ssyncset.done $0x0  }
0xa7: {  	s23 =	simm.s32 $0x1B8E;
	s22 =	sld [smem:$0x3FFE];
	[sflag:s21] =	ssyncadd.s32 $0xFFFFFFFF  }
0xa8: {  	s24 =	simm.s32 $execute0_lowered;
	[smem:$0x3FD2] =	sst s23  }
0xa9: {  	s4 =	sshll.u32 s24, $0x1;
	_ =	strace $0x80000046;
	[dreg:$0x1] =	wrdreg $0xFFFFFFFF  }
0xaa: {  	s25 =	simm.s32 $_size_execute0_lowered;
	s2 =	sadd.s32 s2, s4;
	[dreg:$0x0] =	wrdreg $0x0  }
0xab: {  	s4 =	sshll.u32 s25, $0x1;
	[dreg:$0x2] =	wrdreg s2  }
0xac: {  	[dreg:$0x3] =	wrdreg s4  }
0xad: {  	[dreg:$0x4] =	wrdreg $0xC0  }
0xae: {  	_ =	task [dreg:s6], $0x5FFFF  }
0xaf: {  	[dreg:$0x1] =	wrdreg $0xFFFFFFFF  }
0xb0: {  	[dreg:$0x0] =	wrdreg $0x60  }
0xb1: {  	[dreg:$0x2] =	wrdreg s22  }
0xb2: {  	[dreg:$0x3] =	wrdreg s14  }
0xb3: {  	[dreg:$0x4] =	wrdreg s15  }
0xb4: {  	[dreg:$0x5] =	wrdreg $0x35180  }
0xb5: {  	[dreg:$0x6] =	wrdreg $0x37180  }
0xb6: {  	[dreg:$0x7] =	wrdreg $0x9  }
0xb7: {  	_ =	task.clear_ibuf [dreg:s6], $0x8FFFF;
	_ =	strace $0x90000046  }
0xb8: {  	s26 =	simm.s32 $0x9;
	_ =	strace $0x80000048  }
0xb9: {  	_ =	swait.ge [sflag:s26], $0x1  }
0xba: {  	[sflag:s26] =	ssyncadd.s32 $0xFFFFFFFF  }
0xbb: {  	_ =	strace $0x90000048  }
0xbc: {  	_ =	sfence  }
0xbd: {  	s28 =	sld [smem:$0x0];
	_ =	sdelay $0x1  }
0xbe: {  	s29 =	srdreg.scid  }
0xbf: {  	s30 =	sshll.u32 s29, $0xD;
	s31 =	sshrl.u32 s29, $0x2  }
0xc0: {  	s1 =	sand.u32 $0x1, s29;
	s2 =	sand.u32 $0x4000, s30;
	s0 =	sadd.s32 s31, s28  }
0xc1: {  	s1 =	sor.u32 s2, s1;
	s0 =	sshll.u32 s0, $0x11  }
0xc2: {  	s0 =	sor.u32 s0, s1  }
0xc3: {  	s0 =	sadd.s32 $0x8F2B, s0  }
0xc4: {  	[sflag:s0] =	ssyncadd.remote.s32 $0x1  }
0xc5: {  	_ =	sfence.sel $0xFFFF  }
0xc6: {  	[dreg:$0x0] =	wrdreg $0xFFFFFFFF;
	(pc) =	sbr.abs _section_cstart, $3  }
0xc7: {  	[dreg:$0x1] =	wrdreg $0xFFFFFFFF  }
0xc8: {  	_ =	task.clear_ibuf [dreg:s6], $0x2FFFF;
	_ =	strace $0x9FFFFFFF  }
0xc9: {  	(tm) =	ssettm $0x7FFFFFFF  }
tec
execute0_lowered:
.L_overlay_start_1:
0x0: {  	(tag) =	ssettag $0x1  }
0x1: {  	s7 =	rddreg [dreg:$0x0]  }
0x2: {  	s6 =	rddreg [dreg:$0x1]  }
0x3: {  	s1 =	rddreg [dreg:$0x2]  }
0x4: {  	s8 =	rddreg [dreg:$0x3]  }
0x5: {  	s3 =	rddreg [dreg:$0x4]  }
0x6: {  	s0 =	rddreg [dreg:$0x5];
	s9 =	simm.s32 $0x0;
	s4 =	stileid.u32  }
0x7: {  	[smem:$0x7FF] =	sst s9;
	p0 =	sne.s32 s4, $0x0;
	s2 =	sadd.s32 $0x600, s7  }
0x8: {  	_ =	strace $0x80000047;
	s5 =	sshrl.u32 @!p0 s8, $0x3;
	s10 =	simm.s32 @!p0 $0x1C05  }
0x9: {  	[spmem:s5], [sflag:s10] =	dma.local @!p0 [hbm:s2], $0x400  }
0xa: {  	s2 =	simm.s32 @!p0 $0x5  }
0xb: {  	s21 =	sshll.u32 s4, $0x5;
	_ =	swait.ge @!p0 [sflag:s2], $0x400  }
0xc: {  	s5 =	sadd.s32 s21, s7;
	[sflag:s2] =	ssyncset.done @!p0 $0x0  }
0xd: {  	s22 =	simm.s32 $0x5;
	s5 =	sadd.s32 $0x400, s5;
	[sflag:s2] =	ssyncadd.s32 @!p0 $0xFFFFFC00  }
0xe: {  	[tilespmem:s9], [sflag:$0x5] =	stream.linear.gather [hbm4b:s5+s9], $0x100, $0x38;
	[tilespmem:$0x3728] =	vst v63  }
0xf: {  	_ =	swait.ge [sflag:s22], $0x100  }
0x10: {  	[sflag:s22] =	ssyncset.done $0x0  }
0x11: {  	s23 =	simm.s32 $0x100;
	[sflag:s22] =	ssyncadd.s32 $0xFFFFFF00  }
0x12: {  	[tilespmem:s23], [sflag:$0x1] =	stream.indirect.gather [hbm4b:s6+s23], $0x20, s9, s23, $0xb8;
	[tilespmem:$0x3728] =	vst v63  }
0x13: {  	s11 =	simm.s32 $0x2100;
	s24 =	sadd.s32 $0xA00, s7  }
0x14: {  	[tilespmem:s11], [sflag:$0x3] =	stream.linear.gather [hbm4b:s24+s9], $0x100, $0x38;
	[tilespmem:$0x3728] =	vst v63  }
0x15: {  	s25 =	simm.s32 $0x2400;
	s12 =	simm.s32 $0x1  }
0x16: {  	[tilespmem:s25], [sflag:$0x4] =	stream.linear.gather [hbm4b:s7+s9], $0x1008, $0x38;
	[tilespmem:$0x3728] =	vst v63  }
0x17: {  	s13 =	sshll.u32 s4, $0xA;
	_ =	swait.ge [sflag:s12], $0x2000  }
0x18: {  	s7 =	sadd.s32 s13, s7;
	[sflag:s12] =	ssyncset.done $0x0  }
0x19: {  	s26 =	simm.s32 $0x3;
	s7 =	sadd.s32 $0xC00, s7;
	[sflag:s12] =	ssyncadd.s32 $0xFFFFE000  }
0x1a: {  	[hbm4b:s7+s9] =	stream.linear.scatter [tilespmem:s23], [sflag:$0x2], $0x2000, $0x38;
	[tilespmem:$0x3728] =	vst v63  }
0x1b: {  	_ =	swait.ge [sflag:s26], $0x100  }
0x1c: {  	[sflag:s26] =	ssyncset.done $0x0  }
0x1d: {  	s28 =	simm.s32 $0x4;
	[sflag:s26] =	ssyncadd.s32 $0xFFFFFF00  }
0x1e: {  	_ =	swait.ge [sflag:s28], $0x1008  }
0x1f: {  	[sflag:s28] =	ssyncset.done $0x0  }
0x20: {  	[sflag:s28] =	ssyncadd.s32 $0xFFFFEFF8  }
0x21: {  	[bflag:$0x0] =	sbarrier.arrive $0xFFFF  }
0x22: {  	[spmem:s8] =	stream.indirect.scatter.add.f32 [tilespmem:s11], [sflag:$0x5], $0x1, s9, s23, $0xb8;
	[tilespmem:$0x3728] =	vst v63  }
0x23: {  	_ =	swait.ge [sflag:s22], $0x100  }
0x24: {  	[sflag:s22] =	ssyncset.done $0x0  }
0x25: {  	s29 =	sshll.u32 s4, $0x9;
	[sflag:s22] =	ssyncadd.s32 $0xFFFFFF00  }
0x26: {  	s30 =	simm.s32 $0x2200;
	s7 =	sadd.s32 s29, s8;
	[bflag:$0x0] =	sbarrier.arrive $0xFFFF  }
0x27: {  	[tilespmem:s30], [sflag:$0x5] =	stream.linear.gather [spmem:s7], $0x200, $0x38;
	[tilespmem:$0x3728] =	vst v63  }
0x28: {  	_ =	swait.ge [sflag:s22], $0x200  }
0x29: {  	[sflag:s22] =	ssyncset.done $0x0  }
0x2a: {  	[sflag:s22] =	ssyncadd.s32 $0xFFFFFE00  }
0x2b: {  	v0 =	vld [tilespmem:$0x2200];
	_ =	sdelay $0x1  }
0x2c: {  	v1 =	vld [tilespmem:$0x2210];
	_ =	sdelay $0x1  }
0x2d: {  	v2 =	vld [tilespmem:$0x2220]  }
0x2e: {  	v0 =	vtrunc.f32 v0  }
0x2f: {  	v3 =	vld [tilespmem:$0x2230];
	v0 =	vcvt.f32.s32 v0  }
0x30: {  	v1 =	vtrunc.f32 v1  }
0x31: {  	v4 =	vld [tilespmem:$0x2240];
	v1 =	vcvt.f32.s32 v1  }
0x32: {  	v2 =	vtrunc.f32 v2  }
0x33: {  	v5 =	vld [tilespmem:$0x2250];
	v2 =	vcvt.f32.s32 v2  }
0x34: {  	v6 =	vld [tilespmem:$0x2260];
	v3 =	vtrunc.f32 v3  }
0x35: {  	v3 =	vcvt.f32.s32 v3;
	v0 =	vld.idx.msk [tilespmem:v0+s25+$0x0], $0xffff  }
0x36: {  	v7 =	vld [tilespmem:$0x2270];
	v4 =	vtrunc.f32 v4  }
0x37: {  	v4 =	vcvt.f32.s32 v4;
	v1 =	vld.idx.msk [tilespmem:v1+s25+$0x0], $0xffff  }
0x38: {  	v8 =	vld [tilespmem:$0x2280];
	v5 =	vtrunc.f32 v5  }
0x39: {  	v5 =	vcvt.f32.s32 v5;
	v2 =	vld.idx.msk [tilespmem:v2+s25+$0x0], $0xffff  }
0x3a: {  	v9 =	vld [tilespmem:$0x2290];
	v6 =	vtrunc.f32 v6;
	v0 =	vadd.f32 $0.0e+00, v0  }
0x3b: {  	v6 =	vcvt.f32.s32 v6;
	v3 =	vld.idx.msk [tilespmem:v3+s25+$0x0], $0xffff  }
0x3c: {  	v59 =	vld [tilespmem:$0x22A0];
	v58 =	vtrunc.f32 v7;
	v0 =	vadd.f32 v1, v0  }
0x3d: {  	v4 =	vld.idx.msk [tilespmem:v4+s25+$0x0], $0xffff;
	v1 =	vcvt.f32.s32 v58  }
0x3e: {  	v61 =	vld [tilespmem:$0x22B0];
	v8 =	vtrunc.f32 v8;
	v0 =	vadd.f32 v2, v0  }
0x3f: {  	v60 =	vcvt.f32.s32 v8;
	v5 =	vld.idx.msk [tilespmem:v5+s25+$0x0], $0xffff  }
0x40: {  	v63 =	vld [tilespmem:$0x22C0];
	v9 =	vtrunc.f32 v9;
	v0 =	vadd.f32 v3, v0  }
0x41: {  	v62 =	vcvt.f32.s32 v9;
	v6 =	vld.idx.msk [tilespmem:v6+s25+$0x0], $0xffff  }
0x42: {  	v13 =	vld [tilespmem:$0x22D0];
	v7 =	vtrunc.f32 v59;
	v0 =	vadd.f32 v4, v0  }
0x43: {  	v12 =	vcvt.f32.s32 v7;
	v1 =	vld.idx.msk [tilespmem:v1+s25+$0x0], $0xffff  }
0x44: {  	v16 =	vld [tilespmem:$0x22E0];
	v8 =	vtrunc.f32 v61;
	v0 =	vadd.f32 v5, v0  }
0x45: {  	v14 =	vcvt.f32.s32 v8;
	v2 =	vld.idx.msk [tilespmem:v60+s25+$0x0], $0xffff  }
0x46: {  	v18 =	vld [tilespmem:$0x22F0];
	v15 =	vtrunc.f32 v63;
	v0 =	vadd.f32 v6, v0  }
0x47: {  	v17 =	vcvt.f32.s32 v15;
	v3 =	vld.idx.msk [tilespmem:v62+s25+$0x0], $0xffff  }
0x48: {  	v21 =	vld [tilespmem:$0x2300];
	v7 =	vtrunc.f32 v13;
	v0 =	vadd.f32 v1, v0  }
0x49: {  	v20 =	vcvt.f32.s32 v7;
	v19 =	vld.idx.msk [tilespmem:v12+s25+$0x0], $0xffff  }
0x4a: {  	v24 =	vld [tilespmem:$0x2310];
	v23 =	vtrunc.f32 v16;
	v0 =	vadd.f32 v2, v0  }
0x4b: {  	v22 =	vld.idx.msk [tilespmem:v14+s25+$0x0], $0xffff;
	v5 =	vcvt.f32.s32 v23  }
0x4c: {  	v27 =	vld [tilespmem:$0x2320];
	v26 =	vtrunc.f32 v18;
	v0 =	vadd.f32 v3, v0  }
0x4d: {  	v25 =	vld.idx.msk [tilespmem:v17+s25+$0x0], $0xffff;
	v6 =	vcvt.f32.s32 v26  }
0x4e: {  	v30 =	vld [tilespmem:$0x2330];
	v29 =	vtrunc.f32 v21;
	v0 =	vadd.f32 v19, v0  }
0x4f: {  	v28 =	vld.idx.msk [tilespmem:v20+s25+$0x0], $0xffff;
	v4 =	vcvt.f32.s32 v29  }
0x50: {  	v32 =	vld [tilespmem:$0x2340];
	v31 =	vtrunc.f32 v24;
	v0 =	vadd.f32 v22, v0  }
0x51: {  	v5 =	vld.idx.msk [tilespmem:v5+s25+$0x0], $0xffff;
	v2 =	vcvt.f32.s32 v31  }
0x52: {  	v34 =	vld [tilespmem:$0x2350];
	v33 =	vtrunc.f32 v27;
	v0 =	vadd.f32 v25, v0  }
0x53: {  	v6 =	vld.idx.msk [tilespmem:v6+s25+$0x0], $0xffff;
	v3 =	vcvt.f32.s32 v33  }
0x54: {  	v36 =	vld [tilespmem:$0x2360];
	v35 =	vtrunc.f32 v30;
	v0 =	vadd.f32 v28, v0  }
0x55: {  	v4 =	vld.idx.msk [tilespmem:v4+s25+$0x0], $0xffff;
	v1 =	vcvt.f32.s32 v35  }
0x56: {  	v38 =	vld [tilespmem:$0x2370];
	v9 =	vtrunc.f32 v32;
	v0 =	vadd.f32 v5, v0  }
0x57: {  	v37 =	vcvt.f32.s32 v9;
	v2 =	vld.idx.msk [tilespmem:v2+s25+$0x0], $0xffff  }
0x58: {  	v40 =	vld [tilespmem:$0x2380];
	v8 =	vtrunc.f32 v34;
	v0 =	vadd.f32 v6, v0  }
0x59: {  	v39 =	vcvt.f32.s32 v8;
	v3 =	vld.idx.msk [tilespmem:v3+s25+$0x0], $0xffff  }
0x5a: {  	v42 =	vld [tilespmem:$0x2390];
	v7 =	vtrunc.f32 v36;
	v0 =	vadd.f32 v4, v0  }
0x5b: {  	v41 =	vcvt.f32.s32 v7;
	v1 =	vld.idx.msk [tilespmem:v1+s25+$0x0], $0xffff  }
0x5c: {  	v45 =	vld [tilespmem:$0x23A0];
	v9 =	vtrunc.f32 v38;
	v0 =	vadd.f32 v2, v0  }
0x5d: {  	v44 =	vcvt.f32.s32 v9;
	v43 =	vld.idx.msk [tilespmem:v37+s25+$0x0], $0xffff  }
0x5e: {  	v48 =	vld [tilespmem:$0x23B0];
	v8 =	vtrunc.f32 v40;
	v0 =	vadd.f32 v3, v0  }
0x5f: {  	v7 =	vtrunc.f32 v42;
	v47 =	vcvt.f32.s32 v8;
	v46 =	vld.idx.msk [tilespmem:v39+s25+$0x0], $0xffff  }
0x60: {  	v51 =	vld [tilespmem:$0x23C0];
	v50 =	vcvt.f32.s32 v7;
	v0 =	vadd.f32 v1, v0  }
0x61: {  	v49 =	vld.idx.msk [tilespmem:v41+s25+$0x0], $0xffff  }
0x62: {  	v54 =	vld [tilespmem:$0x23D0];
	v53 =	vtrunc.f32 v45;
	v0 =	vadd.f32 v43, v0  }
0x63: {  	v52 =	vld.idx.msk [tilespmem:v44+s25+$0x0], $0xffff;
	v5 =	vcvt.f32.s32 v53  }
0x64: {  	v57 =	vld [tilespmem:$0x23E0];
	v56 =	vtrunc.f32 v48;
	v0 =	vadd.f32 v46, v0  }
0x65: {  	v55 =	vld.idx.msk [tilespmem:v47+s25+$0x0], $0xffff;
	v6 =	vcvt.f32.s32 v56  }
0x66: {  	v59 =	vtrunc.f32 v51;
	v58 =	vld.idx.msk [tilespmem:v50+s25+$0x0], $0xffff;
	v0 =	vadd.f32 v49, v0  }
0x67: {  	v60 =	vld [tilespmem:$0x23F0];
	v4 =	vcvt.f32.s32 v59  }
0x68: {  	v61 =	vtrunc.f32 v54;
	v0 =	vadd.f32 v52, v0  }
0x69: {  	v5 =	vld.idx.msk [tilespmem:v5+s25+$0x0], $0xffff;
	v2 =	vcvt.f32.s32 v61  }
0x6a: {  	v62 =	vtrunc.f32 v57;
	v0 =	vadd.f32 v55, v0  }
0x6b: {  	v6 =	vld.idx.msk [tilespmem:v6+s25+$0x0], $0xffff;
	v3 =	vcvt.f32.s32 v62  }
0x6c: {  	v63 =	vtrunc.f32 v60;
	v0 =	vadd.f32 v58, v0  }
0x6d: {  	v4 =	vld.idx.msk [tilespmem:v4+s25+$0x0], $0xffff;
	v1 =	vcvt.f32.s32 v63  }
0x6e: {  	v0 =	vadd.f32 v5, v0  }
0x6f: {  	v2 =	vld.idx.msk [tilespmem:v2+s25+$0x0], $0xffff  }
0x70: {  	v0 =	vadd.f32 v6, v0  }
0x71: {  	v3 =	vld.idx.msk [tilespmem:v3+s25+$0x0], $0xffff  }
0x72: {  	v0 =	vadd.f32 v4, v0  }
0x73: {  	v1 =	vld.idx.msk [tilespmem:v1+s25+$0x0], $0xffff  }
0x74: {  	v0 =	vadd.f32 v2, v0;
	_ =	sdelay $0x1  }
0x75: {  	v0 =	vadd.f32 v3, v0;
	_ =	sdelay $0x1  }
0x76: {  	v0 =	vadd.f32 v1, v0  }
0x77: {  	s4 =	sshll.u32 s4, $0x4  }
0x78: {  	s31 =	simm.s32 $0x3408;
	s4 =	sadd.s32 s4, s3;
	[tilespmem:$0x3408] =	vst v0  }
0x79: {  	[spmem:s4] =	stream.linear.scatter [tilespmem:s31], [sflag:$0x5], $0x10, $0x38;
	[tilespmem:$0x3728] =	vst v63  }
0x7a: {  	_ =	swait.ge [sflag:s22], $0x10  }
0x7b: {  	[sflag:s22] =	ssyncset.done $0x0  }
0x7c: {  	[sflag:s22] =	ssyncadd.s32 $0xFFFFFFF0  }
0x7d: {  	s4 =	simm.s32 @p0 $0x2;
	[bflag:$0x0] =	sbarrier.arrive $0xFFFF  }
0x7e: {  	_ =	swait.ge @p0 [sflag:s4], $0x2000  }
0x7f: {  	[sflag:s4] =	ssyncset.done @p0 $0x0  }
0x80: {  	[sflag:s4] =	ssyncadd.s32 @p0 $0xFFFFE000  }
0x81: {  	_ =	sfence.sel @p0 $0x180000  }
0x82: {  	[bflag:$0x0] =	sbarrier.arrive @p0 $0xFFFF  }
0x83: {  	_ =	strace @p0 $0x90000047  }
0x84: {  	s4 =	simm.s32 @!p0 $0x3418;
	[bflag:$0x2] =	sbarrier.arrive @p0 $0xFFFF  }
0x85: {  	[tilespmem:s4], [sflag:$0x5] =	stream.linear.gather @!p0 [spmem:s3], $0x100, $0x38;
	[tilespmem:$0x3728] =	vst v63  }
0x86: {  	_ =	swait.ge @!p0 [sflag:s2], $0x100  }
0x87: {  	[sflag:s2] =	ssyncset.done @!p0 $0x0  }
0x88: {  	[sflag:s2] =	ssyncadd.s32 @!p0 $0xFFFFFF00  }
0x89: {  	v0 =	vld @!p0 [tilespmem:$0x3418];
	_ =	sdelay $0x1  }
0x8a: {  	v1 =	vld @!p0 [tilespmem:$0x3428];
	_ =	sdelay $0x1  }
0x8b: {  	v2 =	vld @!p0 [tilespmem:$0x3438]  }
0x8c: {  	v0 =	vadd.f32 @!p0 $0.0e+00, v0  }
0x8d: {  	v3 =	vld @!p0 [tilespmem:$0x3448]  }
0x8e: {  	v0 =	vadd.f32 @!p0 v1, v0  }
0x8f: {  	v1 =	vld @!p0 [tilespmem:$0x3458]  }
0x90: {  	v0 =	vadd.f32 @!p0 v2, v0  }
0x91: {  	v2 =	vld @!p0 [tilespmem:$0x3468]  }
0x92: {  	v0 =	vadd.f32 @!p0 v3, v0  }
0x93: {  	v3 =	vld @!p0 [tilespmem:$0x3478]  }
0x94: {  	v0 =	vadd.f32 @!p0 v1, v0  }
0x95: {  	v1 =	vld @!p0 [tilespmem:$0x3488]  }
0x96: {  	v0 =	vadd.f32 @!p0 v2, v0  }
0x97: {  	v2 =	vld @!p0 [tilespmem:$0x3498]  }
0x98: {  	v0 =	vadd.f32 @!p0 v3, v0  }
0x99: {  	v3 =	vld @!p0 [tilespmem:$0x34A8]  }
0x9a: {  	v0 =	vadd.f32 @!p0 v1, v0  }
0x9b: {  	v1 =	vld @!p0 [tilespmem:$0x34B8]  }
0x9c: {  	v0 =	vadd.f32 @!p0 v2, v0  }
0x9d: {  	v2 =	vld @!p0 [tilespmem:$0x34C8]  }
0x9e: {  	v0 =	vadd.f32 @!p0 v3, v0  }
0x9f: {  	v3 =	vld @!p0 [tilespmem:$0x34D8]  }
0xa0: {  	v0 =	vadd.f32 @!p0 v1, v0  }
0xa1: {  	v1 =	vld @!p0 [tilespmem:$0x34E8]  }
0xa2: {  	v0 =	vadd.f32 @!p0 v2, v0  }
0xa3: {  	v2 =	vld @!p0 [tilespmem:$0x34F8]  }
0xa4: {  	v0 =	vadd.f32 @!p0 v3, v0  }
0xa5: {  	v3 =	vld @!p0 [tilespmem:$0x3508]  }
0xa6: {  	v0 =	vadd.f32 @!p0 v1, v0;
	_ =	sdelay $0x1  }
0xa7: {  	v0 =	vadd.f32 @!p0 v2, v0;
	_ =	sdelay $0x1  }
0xa8: {  	v0 =	vadd.f32 @!p0 v3, v0;
	_ =	sdelay $0x1  }
0xa9: {  	(xrf2) =	vadd.scan.msk.f32 @!p0 $0xffff, v0;
	_ =	sdelay $0x9  }
0xaa: {  	v0, _, _ =	vpop @!p0 (xrf2)  }
0xab: {  	v0 =	vmul.f32 @!p0 $1.442695020e+00, v0;
	_ =	sdelay $0x1  }
0xac: {  	v0 =	vbroadcast @!p0 v0, $0xF;
	_ =	sdelay $0x1  }
0xad: {  	(erf) = vpow2.f32 @!p0 v0;
	_ =	sdelay $0x8  }
0xae: {  	v0 =	vpop @!p0 (erf)  }
0xaf: {  	s3 =	simm.s32 @!p0 $0x0;
	s4 =	simm.s32 @!p0 $0x3408;
	[tilespmem:$0x3408] =	vst @!p0 v0  }
0xb0: {  	[hbm4b:s1+s3] =	stream.linear.scatter @!p0 [tilespmem:s4], [sflag:$0x5], $0x10, $0x38;
	[tilespmem:$0x3728] =	vst v63  }
0xb1: {  	_ =	swait.ge @!p0 [sflag:s2], $0x10  }
0xb2: {  	[sflag:s2] =	ssyncset.done @!p0 $0x0  }
0xb3: {  	s1 =	simm.s32 @!p0 $0x2;
	[sflag:s2] =	ssyncadd.s32 @!p0 $0xFFFFFFF0  }
0xb4: {  	_ =	swait.ge @!p0 [sflag:s1], $0x2000  }
0xb5: {  	[sflag:s1] =	ssyncset.done @!p0 $0x0  }
0xb6: {  	[sflag:s1] =	ssyncadd.s32 @!p0 $0xFFFFE000  }
0xb7: {  	_ =	sfence.sel @!p0 $0x180000  }
0xb8: {  	[bflag:$0x0] =	sbarrier.arrive @!p0 $0xFFFF  }
0xb9: {  	_ =	strace @!p0 $0x90000047  }
0xba: {  	s0 =	sadd.s32 @!p0 $0x100000, s0;
	[bflag:$0x2] =	sbarrier.arrive @!p0 $0xFFFF  }
0xbb: {  	[sflag:s0] =	ssyncadd.tile.s32 @!p0 $0x1;
	_ =	shalt  }
.Lfunc_end2:
_tile_overlayer_lowered:
.L_overlay_start_2:
0xbc: {  	(tag) =	ssettag $0x2  }
0xbd: {  	s0 =	rddreg [dreg:$0x0];
	s2 =	stileid.u32  }
0xbe: {  	s1 =	rddreg [dreg:$0x1];
	p0 =	sne.s32 s2, $0x0  }
0xbf: {  	s3 =	rddreg [dreg:$0x2];
	[bflag:$0x3] =	sbarrier.arrive $0xFFFF;
	s2 =	simm.s32 @!p0 $0x1C05  }
0xc0: {  	[timem:s3], [sflag:s2] =	dma.local @!p0 [hbm:s0], s1  }
0xc1: {  	s0 =	simm.s32 @!p0 $0x5  }
0xc2: {  	_ =	swait.ge @!p0 [sflag:s0], s1  }
0xc3: {  	s1 =	ssub.s32 @!p0 $0x0, s1;
	[sflag:s0] =	ssyncset.done @!p0 $0x0  }
0xc4: {  	[sflag:s0] =	ssyncadd.s32 @!p0 s1  }
0xc5: {  	[bflag:$0x3] =	sbarrier.arrive $0xFFFF  }
0xc6: {  	_ =	shalt  }

</sc_bundles>
